<compile_context>
chip_gen: v7x
topology: tpu7x:2x2x1
jax: 0.10.2.dev20260603
libtpu: 0.0.44.dev20260713+nightly
codegen_flags: <defaults>
</compile_context>

<pallas_src>
import functools

import jax
import jax.numpy as jnp
import numpy as np
from jax import lax
from jax.experimental import pallas as pl
from jax.experimental.pallas import tpu as pltpu
from jax.experimental.pallas import tpu_sc as plsc

_NUM_CLASSES = 80
_M = 14
_HW = _M * _M
_IMG_W = 1024.0
_IMG_H = 1024.0

_LOCX = np.tile(np.arange(_M, dtype=np.float32) + 0.5, _M)
_LOCY = np.repeat(np.arange(_M, dtype=np.float32) + 0.5, _M)

_KP = 14
_NSTEPS = _HW // _KP


def _tc_body(cls_ref, ctr_ref, bs_ref, qmin_ref, idx_ref, score_ref):
    s = pl.program_id(0)
    qc = 1.0 + jnp.exp(-ctr_ref[0])
    q = (1.0 + jnp.exp(-cls_ref[...])) * qc[:, None, :]
    pmin = jnp.min(q, axis=0)
    iota = lax.broadcasted_iota(jnp.int32, q.shape, 0) + s * _KP
    pidx = jnp.min(jnp.where(q == pmin[None, :, :], iota, _HW), axis=0)

    @pl.when(s == 0)
    def _():
        qmin_ref[...] = pmin
        idx_ref[...] = pidx

    @pl.when(s > 0)
    def _():
        better = pmin < qmin_ref[...]
        idx_ref[...] = jnp.where(better, pidx, idx_ref[...])
        qmin_ref[...] = jnp.minimum(pmin, qmin_ref[...])

    @pl.when(s == _NSTEPS - 1)
    def _():
        m = 1.0 / qmin_ref[...]
        score_ref[...] = jnp.sqrt(jnp.sqrt(m) * bs_ref[...])


def _tc_stage(cls_t, ctr_t, bs2):
    n = cls_t.shape[2]
    _, idx_t, scores_t = pl.pallas_call(
        _tc_body,
        grid=(_NSTEPS,),
        in_specs=[
            pl.BlockSpec((_KP, _NUM_CLASSES, n), lambda i: (i, 0, 0)),
            pl.BlockSpec((1, _KP, n), lambda i: (i, 0, 0)),
            pl.BlockSpec((1, n), lambda i: (0, 0)),
        ],
        out_specs=[
            pl.BlockSpec((_NUM_CLASSES, n), lambda i: (0, 0)),
            pl.BlockSpec((_NUM_CLASSES, n), lambda i: (0, 0)),
            pl.BlockSpec((_NUM_CLASSES, n), lambda i: (0, 0)),
        ],
        out_shape=[
            jax.ShapeDtypeStruct((_NUM_CLASSES, n), jnp.float32),
            jax.ShapeDtypeStruct((_NUM_CLASSES, n), jnp.int32),
            jax.ShapeDtypeStruct((_NUM_CLASSES, n), jnp.float32),
        ],
    )(cls_t, ctr_t, bs2)
    return idx_t, scores_t


_NW = 32
_BPW = 32


def _sc_decode(n_boxes):
    mesh = plsc.VectorSubcoreMesh(core_axis_name="c", subcore_axis_name="s")
    tail = n_boxes - (_NW - 1) * _BPW
    assert 0 < tail <= _BPW

    @functools.partial(
        pl.kernel,
        mesh=mesh,
        compiler_params=pltpu.CompilerParams(needs_layout_passes=False),
        out_type=jax.ShapeDtypeStruct((4, n_boxes * _NUM_CLASSES), jnp.float32),
        scratch_types=[
            pltpu.VMEM((_BPW, 4 * _HW), jnp.float32),
            pltpu.VMEM((_BPW, _NUM_CLASSES), jnp.int32),
            pltpu.VMEM((_HW,), jnp.float32),
            pltpu.VMEM((_HW,), jnp.float32),
            pltpu.VMEM((_BPW, 16), jnp.float32),
            pltpu.VMEM((4, _BPW * _NUM_CLASSES), jnp.float32),
        ],
    )
    def k(idx_hbm, reg_hbm, boxes_hbm, locx_hbm, locy_hbm, out_hbm,
          reg_v, idx_v, locx_v, locy_v, boxes_v, out_v):
        wid = lax.axis_index("s") * 2 + lax.axis_index("c")
        pltpu.sync_copy(locx_hbm, locx_v)
        pltpu.sync_copy(locy_hbm, locy_v)
        base = wid * _BPW

        def chunk(nb):
            pltpu.sync_copy(reg_hbm.at[pl.ds(base, nb)], reg_v.at[pl.ds(0, nb)])
            pltpu.sync_copy(idx_hbm.at[pl.ds(base, nb)], idx_v.at[pl.ds(0, nb)])
            pltpu.sync_copy(boxes_hbm.at[pl.ds(base, nb)], boxes_v.at[pl.ds(0, nb)])

            def body(kk, carry):
                bvec = boxes_v[kk, :]
                bx = bvec[0]
                by = bvec[1]
                sw = (bvec[2] - bx) * (1.0 / _M)
                sh = (bvec[3] - by) * (1.0 / _M)
                lane = lax.iota(jnp.int32, 16)
                row = lane * 0 + kk
                for g in range(_NUM_CLASSES // 16):
                    iv = idx_v[kk, pl.ds(g * 16, 16)]
                    r0 = plsc.load_gather(reg_v, [row, iv])
                    r1 = plsc.load_gather(reg_v, [row, iv + _HW])
                    r2 = plsc.load_gather(reg_v, [row, iv + 2 * _HW])
                    r3 = plsc.load_gather(reg_v, [row, iv + 3 * _HW])
                    gx = plsc.load_gather(locx_v, [iv])
                    gy = plsc.load_gather(locy_v, [iv])
                    x1 = jnp.minimum(jnp.maximum((gx - r0) * sw + bx, 0.0), _IMG_W - 1.0)
                    y1 = jnp.minimum(jnp.maximum((gy - r1) * sh + by, 0.0), _IMG_H - 1.0)
                    x2 = jnp.minimum(jnp.maximum((gx + r2) * sw + bx, 0.0), _IMG_W - 1.0)
                    y2 = jnp.minimum(jnp.maximum((gy + r3) * sh + by, 0.0), _IMG_H - 1.0)
                    ci = kk * _NUM_CLASSES + g * 16 + lane
                    plsc.store_scatter(out_v, [row * 0, ci], x1)
                    plsc.store_scatter(out_v, [row * 0 + 1, ci], y1)
                    plsc.store_scatter(out_v, [row * 0 + 2, ci], x2)
                    plsc.store_scatter(out_v, [row * 0 + 3, ci], y2)
                return carry

            lax.fori_loop(0, nb, body, 0)
            pltpu.sync_copy(out_v.at[:, pl.ds(0, nb * _NUM_CLASSES)],
                            out_hbm.at[:, pl.ds(base * _NUM_CLASSES,
                                                nb * _NUM_CLASSES)])

        @pl.when(wid < _NW - 1)
        def _():
            chunk(_BPW)

        @pl.when(wid == _NW - 1)
        def _():
            chunk(tail)

    return k


def kernel(box_cls, box_reg, centerness, boxes, boxes_scores):
    n = box_cls.shape[0]
    cls_t = jnp.transpose(box_cls, (2, 3, 1, 0)).reshape(_HW, _NUM_CLASSES, n)
    ctr_t = jnp.transpose(centerness, (2, 3, 1, 0)).reshape(_NSTEPS, _KP, n)
    bs2 = boxes_scores.reshape(1, n)

    idx_t, scores_t = _tc_stage(cls_t, ctr_t, bs2)

    locx = jnp.asarray(_LOCX)
    locy = jnp.asarray(_LOCY)
    boxes16 = jnp.pad(boxes, ((0, 0), (0, 12)))
    dets = _sc_decode(n)(
        idx_t.T, box_reg.reshape(n, 4 * _HW), boxes16, locx, locy
    ).T

    labels = jnp.broadcast_to(
        jnp.arange(2, 2 + _NUM_CLASSES, dtype=jnp.int32)[None, :], (n, _NUM_CLASSES)
    )
    return dets.reshape(-1, 4), scores_t.T.reshape(-1), labels.reshape(-1)

# --- scband reference (transcript-rebuilt; emitter-appended) ---
"""Pipeline reference for scband-hier-post-processor-76407468195900 (READ-ONLY COPY).

The authoritative reference and input builder live on the scoring server;
editing this copy changes nothing except your own understanding.
"""

import jax, jax.numpy as jnp
import numpy as np

NUM_CLASSES = 80
M = 14
IMG_W = 1024.0
IMG_H = 1024.0


def setup_inputs(seed: int = 0) -> dict:
    key = jax.random.key(seed)
    k1, k2, k3, k4, k5, k6 = jax.random.split(key, 6)
    N = 1000
    box_cls = jax.random.normal(k1, (N, NUM_CLASSES, M, M), dtype=jnp.float32)
    box_reg = jax.random.normal(k2, (N, 4, M, M), dtype=jnp.float32)
    centerness = jax.random.normal(k3, (N, 1, M, M), dtype=jnp.float32)
    xy1 = jax.random.uniform(k4, (N, 2), minval=0.0, maxval=800.0, dtype=jnp.float32)
    wh = jax.random.uniform(k5, (N, 2), minval=16.0, maxval=200.0, dtype=jnp.float32)
    boxes = jnp.concatenate([xy1, xy1 + wh], axis=1).astype(jnp.float32)
    boxes_scores = jax.random.uniform(k6, (N,), dtype=jnp.float32)
    return {"box_cls": box_cls, "box_reg": box_reg, "centerness": centerness,
            "boxes": boxes, "boxes_scores": boxes_scores}


def reference(box_cls, box_reg, centerness, boxes, boxes_scores):
    N = box_cls.shape[0]
    HW = M * M
    cls = jax.nn.sigmoid(jnp.transpose(box_cls, (0, 2, 3, 1)).reshape(N, HW, NUM_CLASSES))
    reg = jnp.transpose(box_reg, (0, 2, 3, 1)).reshape(N, HW, 4)
    ctr = jax.nn.sigmoid(jnp.transpose(centerness, (0, 2, 3, 1)).reshape(N, HW))
    cls = cls * ctr[:, :, None]
    # per-RoI max over spatial positions, per class (torch: per_box_cls.max(dim=0))
    cls_max = jnp.max(cls, axis=1)            # [N, C]
    cls_inds = jnp.argmax(cls, axis=1)        # [N, C] int
    # locations grid (x_step = y_step = 1.0)
    shifts = jnp.arange(0, M, dtype=jnp.float32) + 0.5
    sy, sx = jnp.meshgrid(shifts, shifts, indexing='ij')
    locations = jnp.stack([sx.reshape(-1), sy.reshape(-1)], axis=1)  # [HW, 2]
    per_reg = jnp.take_along_axis(reg, cls_inds[:, :, None], axis=1)  # [N, C, 4] gather
    per_loc = locations[cls_inds]                                     # [N, C, 2] gather
    x1 = per_loc[..., 0] - per_reg[..., 0]
    y1 = per_loc[..., 1] - per_reg[..., 1]
    x2 = per_loc[..., 0] + per_reg[..., 2]
    y2 = per_loc[..., 1] + per_reg[..., 3]
    bw = (boxes[:, 2] - boxes[:, 0])[:, None]
    bh = (boxes[:, 3] - boxes[:, 1])[:, None]
    bx = boxes[:, 0][:, None]
    by = boxes[:, 1][:, None]
    x1 = x1 / M * bw + bx
    y1 = y1 / M * bh + by
    x2 = x2 / M * bw + bx
    y2 = y2 / M * bh + by
    # clip_to_image (maskrcnn-benchmark clamps to [0, dim-1])
    x1 = jnp.clip(x1, 0.0, IMG_W - 1.0)
    y1 = jnp.clip(y1, 0.0, IMG_H - 1.0)
    x2 = jnp.clip(x2, 0.0, IMG_W - 1.0)
    y2 = jnp.clip(y2, 0.0, IMG_H - 1.0)
    dets = jnp.stack([x1, y1, x2, y2], axis=-1)  # [N, C, 4]
    scores = jnp.sqrt(jnp.sqrt(cls_max) * boxes_scores[:, None])  # [N, C]
    labels = jnp.broadcast_to(jnp.arange(2, 2 + NUM_CLASSES, dtype=jnp.int32)[None, :], (N, NUM_CLASSES))
    return dets.reshape(-1, 4), scores.reshape(-1), labels.reshape(-1)

if __name__ == "__main__":
    import jax
    _d = setup_inputs()
    print(jax.jit(kernel)(*tuple(_d.values())))

</pallas_src>

<mosaic_0001>
#map = affine_map<(d0, d1) -> (0, 0)>
#map1 = affine_map<(d0, d1) -> (0)>
module attributes {stable_mosaic.version = 14 : i64} {
  func.func @k(%arg0: i32, %arg1: i32, %arg2: memref<1000x80xi32, #tpu.memory_space<hbm>>, %arg3: memref<1000x784xf32, #tpu.memory_space<hbm>>, %arg4: memref<1000x16xf32, #tpu.memory_space<hbm>>, %arg5: memref<196xf32, #tpu.memory_space<hbm>>, %arg6: memref<196xf32, #tpu.memory_space<hbm>>, %arg7: memref<4x80000xf32, #tpu.memory_space<hbm>>, %arg8: memref<32x784xf32, #tpu.memory_space<vmem>>, %arg9: memref<32x80xi32, #tpu.memory_space<vmem>>, %arg10: memref<196xf32, #tpu.memory_space<vmem>>, %arg11: memref<196xf32, #tpu.memory_space<vmem>>, %arg12: memref<32x16xf32, #tpu.memory_space<vmem>>, %arg13: memref<4x2560xf32, #tpu.memory_space<vmem>>) attributes {dimension_semantics = [#tpu.dimension_semantics<core_parallel>, #tpu.dimension_semantics<subcore_parallel>], iteration_bounds = array<i64: 2, 16>, scalar_prefetch = 0 : i64, scratch_operands = 6 : i64, tpu.core_type = #tpu.core_type<sc_vector_subcore>, window_params = [{transform_indices = #map}, {transform_indices = #map}, {transform_indices = #map}, {transform_indices = #map1}, {transform_indices = #map1}, {transform_indices = #map}]} {
    %mul3A = arith.constant 2 : i32
    %mul3A_0 = arith.muli %arg1, %mul3A : i32
    %add3A = arith.addi %mul3A_0, %arg0 : i32
    "tpu.region"() ({
      %run_scoped3A = tpu.sem_alloc : memref<!tpu.dma_semaphore, #tpu.memory_space<semaphore_mem>>
      tpu.enqueue_dma source(%arg5 : memref<196xf32, #tpu.memory_space<hbm>>) target(%arg10 : memref<196xf32, #tpu.memory_space<vmem>>) target_semaphore(%run_scoped3A : memref<!tpu.dma_semaphore, #tpu.memory_space<semaphore_mem>>)
      tpu.wait_dma2 semaphore(%run_scoped3A : memref<!tpu.dma_semaphore, #tpu.memory_space<semaphore_mem>>) src(%arg5 : memref<196xf32, #tpu.memory_space<hbm>>) dst(%arg10 : memref<196xf32, #tpu.memory_space<vmem>>)
      tpu.yield
    }) : () -> ()
    "tpu.region"() ({
      %run_scoped3A = tpu.sem_alloc : memref<!tpu.dma_semaphore, #tpu.memory_space<semaphore_mem>>
      tpu.enqueue_dma source(%arg6 : memref<196xf32, #tpu.memory_space<hbm>>) target(%arg11 : memref<196xf32, #tpu.memory_space<vmem>>) target_semaphore(%run_scoped3A : memref<!tpu.dma_semaphore, #tpu.memory_space<semaphore_mem>>)
      tpu.wait_dma2 semaphore(%run_scoped3A : memref<!tpu.dma_semaphore, #tpu.memory_space<semaphore_mem>>) src(%arg6 : memref<196xf32, #tpu.memory_space<hbm>>) dst(%arg11 : memref<196xf32, #tpu.memory_space<vmem>>)
      tpu.yield
    }) : () -> ()
    %mul3A_1 = arith.constant 32 : i32
    %mul3A_2 = arith.muli %add3A, %mul3A_1 : i32
    %lt3A = arith.constant 31 : i32
    %lt3A_3 = arith.cmpi slt, %add3A, %lt3A : i32
    %convert_element_type3A = arith.extui %lt3A_3 : i1 to i32
    %cond3A = arith.constant 0 : i32
    %cond3A_4 = arith.cmpi ne, %convert_element_type3A, %cond3A : i32
    scf.if %cond3A_4 {
      "tpu.region"() ({
        %run_scoped3A = tpu.sem_alloc : memref<!tpu.dma_semaphore, #tpu.memory_space<semaphore_mem>>
        %dma_start3A = arith.constant 0 : i32
        %dma_start3A_16 = arith.constant 0 : i32
        %dma_start3A_17 = tpu.memref_slice %arg8[%dma_start3A, %dma_start3A_16] : memref<32x784xf32, #tpu.memory_space<vmem>> -> memref<32x784xf32, #tpu.memory_space<vmem>>
        %dma_start3A_18 = arith.constant 0 : i32
        %dma_start3A_19 = tpu.memref_slice %arg3[%mul3A_2, %dma_start3A_18] : memref<1000x784xf32, #tpu.memory_space<hbm>> -> memref<32x784xf32, #tpu.memory_space<hbm>>
        %dma_start3A_20 = arith.constant 0 : i32
        %dma_start3A_21 = arith.constant 0 : i32
        %dma_start3A_22 = tpu.memref_slice %arg8[%dma_start3A_20, %dma_start3A_21] : memref<32x784xf32, #tpu.memory_space<vmem>> -> memref<32x784xf32, #tpu.memory_space<vmem>>
        %dma_start3A_23 = arith.constant 0 : i32
        %dma_start3A_24 = tpu.memref_slice %arg3[%mul3A_2, %dma_start3A_23] : memref<1000x784xf32, #tpu.memory_space<hbm>> -> memref<32x784xf32, #tpu.memory_space<hbm>>
        tpu.enqueue_dma source(%dma_start3A_24 : memref<32x784xf32, #tpu.memory_space<hbm>>) target(%dma_start3A_22 : memref<32x784xf32, #tpu.memory_space<vmem>>) target_semaphore(%run_scoped3A : memref<!tpu.dma_semaphore, #tpu.memory_space<semaphore_mem>>)
        %dma_wait3A = arith.constant 0 : i32
        %dma_wait3A_25 = arith.constant 0 : i32
        %dma_wait3A_26 = tpu.memref_slice %arg8[%dma_wait3A, %dma_wait3A_25] : memref<32x784xf32, #tpu.memory_space<vmem>> -> memref<32x784xf32, #tpu.memory_space<vmem>>
        %dma_wait3A_27 = arith.constant 0 : i32
        %dma_wait3A_28 = tpu.memref_slice %arg3[%mul3A_2, %dma_wait3A_27] : memref<1000x784xf32, #tpu.memory_space<hbm>> -> memref<32x784xf32, #tpu.memory_space<hbm>>
        %dma_wait3A_29 = arith.constant 0 : i32
        %dma_wait3A_30 = arith.constant 0 : i32
        %dma_wait3A_31 = tpu.memref_slice %arg8[%dma_wait3A_29, %dma_wait3A_30] : memref<32x784xf32, #tpu.memory_space<vmem>> -> memref<32x784xf32, #tpu.memory_space<vmem>>
        %dma_wait3A_32 = arith.constant 0 : i32
        %dma_wait3A_33 = tpu.memref_slice %arg3[%mul3A_2, %dma_wait3A_32] : memref<1000x784xf32, #tpu.memory_space<hbm>> -> memref<32x784xf32, #tpu.memory_space<hbm>>
        tpu.wait_dma2 semaphore(%run_scoped3A : memref<!tpu.dma_semaphore, #tpu.memory_space<semaphore_mem>>) src(%dma_wait3A_33 : memref<32x784xf32, #tpu.memory_space<hbm>>) dst(%dma_wait3A_31 : memref<32x784xf32, #tpu.memory_space<vmem>>)
        tpu.yield
      }) : () -> ()
      "tpu.region"() ({
        %run_scoped3A = tpu.sem_alloc : memref<!tpu.dma_semaphore, #tpu.memory_space<semaphore_mem>>
        %dma_start3A = arith.constant 0 : i32
        %dma_start3A_16 = arith.constant 0 : i32
        %dma_start3A_17 = tpu.memref_slice %arg9[%dma_start3A, %dma_start3A_16] : memref<32x80xi32, #tpu.memory_space<vmem>> -> memref<32x80xi32, #tpu.memory_space<vmem>>
        %dma_start3A_18 = arith.constant 0 : i32
        %dma_start3A_19 = tpu.memref_slice %arg2[%mul3A_2, %dma_start3A_18] : memref<1000x80xi32, #tpu.memory_space<hbm>> -> memref<32x80xi32, #tpu.memory_space<hbm>>
        %dma_start3A_20 = arith.constant 0 : i32
        %dma_start3A_21 = arith.constant 0 : i32
        %dma_start3A_22 = tpu.memref_slice %arg9[%dma_start3A_20, %dma_start3A_21] : memref<32x80xi32, #tpu.memory_space<vmem>> -> memref<32x80xi32, #tpu.memory_space<vmem>>
        %dma_start3A_23 = arith.constant 0 : i32
        %dma_start3A_24 = tpu.memref_slice %arg2[%mul3A_2, %dma_start3A_23] : memref<1000x80xi32, #tpu.memory_space<hbm>> -> memref<32x80xi32, #tpu.memory_space<hbm>>
        tpu.enqueue_dma source(%dma_start3A_24 : memref<32x80xi32, #tpu.memory_space<hbm>>) target(%dma_start3A_22 : memref<32x80xi32, #tpu.memory_space<vmem>>) target_semaphore(%run_scoped3A : memref<!tpu.dma_semaphore, #tpu.memory_space<semaphore_mem>>)
        %dma_wait3A = arith.constant 0 : i32
        %dma_wait3A_25 = arith.constant 0 : i32
        %dma_wait3A_26 = tpu.memref_slice %arg9[%dma_wait3A, %dma_wait3A_25] : memref<32x80xi32, #tpu.memory_space<vmem>> -> memref<32x80xi32, #tpu.memory_space<vmem>>
        %dma_wait3A_27 = arith.constant 0 : i32
        %dma_wait3A_28 = tpu.memref_slice %arg2[%mul3A_2, %dma_wait3A_27] : memref<1000x80xi32, #tpu.memory_space<hbm>> -> memref<32x80xi32, #tpu.memory_space<hbm>>
        %dma_wait3A_29 = arith.constant 0 : i32
        %dma_wait3A_30 = arith.constant 0 : i32
        %dma_wait3A_31 = tpu.memref_slice %arg9[%dma_wait3A_29, %dma_wait3A_30] : memref<32x80xi32, #tpu.memory_space<vmem>> -> memref<32x80xi32, #tpu.memory_space<vmem>>
        %dma_wait3A_32 = arith.constant 0 : i32
        %dma_wait3A_33 = tpu.memref_slice %arg2[%mul3A_2, %dma_wait3A_32] : memref<1000x80xi32, #tpu.memory_space<hbm>> -> memref<32x80xi32, #tpu.memory_space<hbm>>
        tpu.wait_dma2 semaphore(%run_scoped3A : memref<!tpu.dma_semaphore, #tpu.memory_space<semaphore_mem>>) src(%dma_wait3A_33 : memref<32x80xi32, #tpu.memory_space<hbm>>) dst(%dma_wait3A_31 : memref<32x80xi32, #tpu.memory_space<vmem>>)
        tpu.yield
      }) : () -> ()
      "tpu.region"() ({
        %run_scoped3A = tpu.sem_alloc : memref<!tpu.dma_semaphore, #tpu.memory_space<semaphore_mem>>
        %dma_start3A = arith.constant 0 : i32
        %dma_start3A_16 = arith.constant 0 : i32
        %dma_start3A_17 = tpu.memref_slice %arg12[%dma_start3A, %dma_start3A_16] : memref<32x16xf32, #tpu.memory_space<vmem>> -> memref<32x16xf32, #tpu.memory_space<vmem>>
        %dma_start3A_18 = arith.constant 0 : i32
        %dma_start3A_19 = tpu.memref_slice %arg4[%mul3A_2, %dma_start3A_18] : memref<1000x16xf32, #tpu.memory_space<hbm>> -> memref<32x16xf32, #tpu.memory_space<hbm>>
        %dma_start3A_20 = arith.constant 0 : i32
        %dma_start3A_21 = arith.constant 0 : i32
        %dma_start3A_22 = tpu.memref_slice %arg12[%dma_start3A_20, %dma_start3A_21] : memref<32x16xf32, #tpu.memory_space<vmem>> -> memref<32x16xf32, #tpu.memory_space<vmem>>
        %dma_start3A_23 = arith.constant 0 : i32
        %dma_start3A_24 = tpu.memref_slice %arg4[%mul3A_2, %dma_start3A_23] : memref<1000x16xf32, #tpu.memory_space<hbm>> -> memref<32x16xf32, #tpu.memory_space<hbm>>
        tpu.enqueue_dma source(%dma_start3A_24 : memref<32x16xf32, #tpu.memory_space<hbm>>) target(%dma_start3A_22 : memref<32x16xf32, #tpu.memory_space<vmem>>) target_semaphore(%run_scoped3A : memref<!tpu.dma_semaphore, #tpu.memory_space<semaphore_mem>>)
        %dma_wait3A = arith.constant 0 : i32
        %dma_wait3A_25 = arith.constant 0 : i32
        %dma_wait3A_26 = tpu.memref_slice %arg12[%dma_wait3A, %dma_wait3A_25] : memref<32x16xf32, #tpu.memory_space<vmem>> -> memref<32x16xf32, #tpu.memory_space<vmem>>
        %dma_wait3A_27 = arith.constant 0 : i32
        %dma_wait3A_28 = tpu.memref_slice %arg4[%mul3A_2, %dma_wait3A_27] : memref<1000x16xf32, #tpu.memory_space<hbm>> -> memref<32x16xf32, #tpu.memory_space<hbm>>
        %dma_wait3A_29 = arith.constant 0 : i32
        %dma_wait3A_30 = arith.constant 0 : i32
        %dma_wait3A_31 = tpu.memref_slice %arg12[%dma_wait3A_29, %dma_wait3A_30] : memref<32x16xf32, #tpu.memory_space<vmem>> -> memref<32x16xf32, #tpu.memory_space<vmem>>
        %dma_wait3A_32 = arith.constant 0 : i32
        %dma_wait3A_33 = tpu.memref_slice %arg4[%mul3A_2, %dma_wait3A_32] : memref<1000x16xf32, #tpu.memory_space<hbm>> -> memref<32x16xf32, #tpu.memory_space<hbm>>
        tpu.wait_dma2 semaphore(%run_scoped3A : memref<!tpu.dma_semaphore, #tpu.memory_space<semaphore_mem>>) src(%dma_wait3A_33 : memref<32x16xf32, #tpu.memory_space<hbm>>) dst(%dma_wait3A_31 : memref<32x16xf32, #tpu.memory_space<vmem>>)
        tpu.yield
      }) : () -> ()
      %scan3A = arith.constant 0 : i32
      %scan3A_9 = arith.constant 0 : i32
      %scan3A_10 = arith.constant 32 : i32
      %scan3A_11 = arith.addi %scan3A_9, %scan3A_10 : i32
      %scan3A_12 = arith.constant 1 : i32
      scf.for %scan3A_16 = %scan3A_9 to %scan3A_11 step %scan3A_12  : i32 {
        %get3A = arith.index_cast %scan3A_16 : i32 to index
        %get3A_17 = arith.constant 0 : index
        %get3A_18 = tpu.vector_load %arg12[%get3A, %get3A_17] {strides = array<i32>} : memref<32x16xf32, #tpu.memory_space<vmem>>, vector<16xf32>,
        %slice3A = vector.extract_strided_slice %get3A_18 {offsets = [0], sizes = [1], strides = [1]} : vector<16xf32> to vector<1xf32>
        %squeeze3A = vector.extract %slice3A[0] : f32 from vector<1xf32>
        %slice3A_19 = vector.extract_strided_slice %get3A_18 {offsets = [1], sizes = [1], strides = [1]} : vector<16xf32> to vector<1xf32>
        %squeeze3A_20 = vector.extract %slice3A_19[0] : f32 from vector<1xf32>
        %slice3A_21 = vector.extract_strided_slice %get3A_18 {offsets = [2], sizes = [1], strides = [1]} : vector<16xf32> to vector<1xf32>
        %squeeze3A_22 = vector.extract %slice3A_21[0] : f32 from vector<1xf32>
        %sub3A = arith.subf %squeeze3A_22, %squeeze3A : f32
        %mul3A_23 = arith.constant 0.0714285746 : f32
        %mul3A_24 = arith.mulf %sub3A, %mul3A_23 : f32
        %slice3A_25 = vector.extract_strided_slice %get3A_18 {offsets = [3], sizes = [1], strides = [1]} : vector<16xf32> to vector<1xf32>
        %squeeze3A_26 = vector.extract %slice3A_25[0] : f32 from vector<1xf32>
        %sub3A_27 = arith.subf %squeeze3A_26, %squeeze3A_20 : f32
        %mul3A_28 = arith.constant 0.0714285746 : f32
        %mul3A_29 = arith.mulf %sub3A_27, %mul3A_28 : f32
        %iota3A = tpu.iota {dimensions = array<i32: 0>} : vector<16xi32>
        %mul3A_30 = arith.constant 0 : i32
        %mul3A_31 = vector.broadcast %mul3A_30 : i32 to vector<16xi32>
        %mul3A_32 = arith.muli %iota3A, %mul3A_31 : vector<16xi32>
        %add3A_33 = vector.broadcast %scan3A_16 : i32 to vector<16xi32>
        %add3A_34 = arith.addi %mul3A_32, %add3A_33 : vector<16xi32>
        %get3A_35 = arith.index_cast %scan3A_16 : i32 to index
        %get3A_36 = arith.constant 0 : index
        %get3A_37 = tpu.vector_load %arg9[%get3A_35, %get3A_36] {strides = array<i32>} : memref<32x80xi32, #tpu.memory_space<vmem>>, vector<16xi32>,
        %gather3A = tpu.vector_load_idx %arg8[%add3A_34, %get3A_37] : memref<32x784xf32, #tpu.memory_space<vmem>>[vector<16xi32>, vector<16xi32>], vector<16xf32>,
        %add3A_38 = arith.constant 196 : i32
        %add3A_39 = vector.broadcast %add3A_38 : i32 to vector<16xi32>
        %add3A_40 = arith.addi %get3A_37, %add3A_39 : vector<16xi32>
        %gather3A_41 = tpu.vector_load_idx %arg8[%add3A_34, %add3A_40] : memref<32x784xf32, #tpu.memory_space<vmem>>[vector<16xi32>, vector<16xi32>], vector<16xf32>,
        %add3A_42 = arith.constant 392 : i32
        %add3A_43 = vector.broadcast %add3A_42 : i32 to vector<16xi32>
        %add3A_44 = arith.addi %get3A_37, %add3A_43 : vector<16xi32>
        %gather3A_45 = tpu.vector_load_idx %arg8[%add3A_34, %add3A_44] : memref<32x784xf32, #tpu.memory_space<vmem>>[vector<16xi32>, vector<16xi32>], vector<16xf32>,
        %add3A_46 = arith.constant 588 : i32
        %add3A_47 = vector.broadcast %add3A_46 : i32 to vector<16xi32>
        %add3A_48 = arith.addi %get3A_37, %add3A_47 : vector<16xi32>
        %gather3A_49 = tpu.vector_load_idx %arg8[%add3A_34, %add3A_48] : memref<32x784xf32, #tpu.memory_space<vmem>>[vector<16xi32>, vector<16xi32>], vector<16xf32>,
        %gather3A_50 = tpu.vector_load_idx %arg10[%get3A_37] : memref<196xf32, #tpu.memory_space<vmem>>[vector<16xi32>], vector<16xf32>,
        %gather3A_51 = tpu.vector_load_idx %arg11[%get3A_37] : memref<196xf32, #tpu.memory_space<vmem>>[vector<16xi32>], vector<16xf32>,
        %sub3A_52 = arith.subf %gather3A_50, %gather3A : vector<16xf32>
        %mul3A_53 = vector.broadcast %mul3A_24 : f32 to vector<16xf32>
        %mul3A_54 = arith.mulf %sub3A_52, %mul3A_53 : vector<16xf32>
        %add3A_55 = vector.broadcast %squeeze3A : f32 to vector<16xf32>
        %add3A_56 = arith.addf %mul3A_54, %add3A_55 : vector<16xf32>
        %max3A = arith.constant 0.000000e+00 : f32
        %max3A_57 = vector.broadcast %max3A : f32 to vector<16xf32>
        %max3A_58 = arith.maximumf %add3A_56, %max3A_57 : vector<16xf32>
        %min3A = arith.constant 1.023000e+03 : f32
        %min3A_59 = vector.broadcast %min3A : f32 to vector<16xf32>
        %min3A_60 = arith.minimumf %max3A_58, %min3A_59 : vector<16xf32>
        %sub3A_61 = arith.subf %gather3A_51, %gather3A_41 : vector<16xf32>
        %mul3A_62 = vector.broadcast %mul3A_29 : f32 to vector<16xf32>
        %mul3A_63 = arith.mulf %sub3A_61, %mul3A_62 : vector<16xf32>
        %add3A_64 = vector.broadcast %squeeze3A_20 : f32 to vector<16xf32>
        %add3A_65 = arith.addf %mul3A_63, %add3A_64 : vector<16xf32>
        %max3A_66 = arith.constant 0.000000e+00 : f32
        %max3A_67 = vector.broadcast %max3A_66 : f32 to vector<16xf32>
        %max3A_68 = arith.maximumf %add3A_65, %max3A_67 : vector<16xf32>
        %min3A_69 = arith.constant 1.023000e+03 : f32
        %min3A_70 = vector.broadcast %min3A_69 : f32 to vector<16xf32>
        %min3A_71 = arith.minimumf %max3A_68, %min3A_70 : vector<16xf32>
        %add3A_72 = arith.addf %gather3A_50, %gather3A_45 : vector<16xf32>
        %mul3A_73 = vector.broadcast %mul3A_24 : f32 to vector<16xf32>
        %mul3A_74 = arith.mulf %add3A_72, %mul3A_73 : vector<16xf32>
        %add3A_75 = vector.broadcast %squeeze3A : f32 to vector<16xf32>
        %add3A_76 = arith.addf %mul3A_74, %add3A_75 : vector<16xf32>
        %max3A_77 = arith.constant 0.000000e+00 : f32
        %max3A_78 = vector.broadcast %max3A_77 : f32 to vector<16xf32>
        %max3A_79 = arith.maximumf %add3A_76, %max3A_78 : vector<16xf32>
        %min3A_80 = arith.constant 1.023000e+03 : f32
        %min3A_81 = vector.broadcast %min3A_80 : f32 to vector<16xf32>
        %min3A_82 = arith.minimumf %max3A_79, %min3A_81 : vector<16xf32>
        %add3A_83 = arith.addf %gather3A_51, %gather3A_49 : vector<16xf32>
        %mul3A_84 = vector.broadcast %mul3A_29 : f32 to vector<16xf32>
        %mul3A_85 = arith.mulf %add3A_83, %mul3A_84 : vector<16xf32>
        %add3A_86 = vector.broadcast %squeeze3A_20 : f32 to vector<16xf32>
        %add3A_87 = arith.addf %mul3A_85, %add3A_86 : vector<16xf32>
        %max3A_88 = arith.constant 0.000000e+00 : f32
        %max3A_89 = vector.broadcast %max3A_88 : f32 to vector<16xf32>
        %max3A_90 = arith.maximumf %add3A_87, %max3A_89 : vector<16xf32>
        %min3A_91 = arith.constant 1.023000e+03 : f32
        %min3A_92 = vector.broadcast %min3A_91 : f32 to vector<16xf32>
        %min3A_93 = arith.minimumf %max3A_90, %min3A_92 : vector<16xf32>
        %mul3A_94 = arith.constant 80 : i32
        %mul3A_95 = arith.muli %scan3A_16, %mul3A_94 : i32
        %add3A_96 = arith.constant 0 : i32
        %add3A_97 = arith.addi %mul3A_95, %add3A_96 : i32
        %add3A_98 = vector.broadcast %add3A_97 : i32 to vector<16xi32>
        %add3A_99 = arith.addi %add3A_98, %iota3A : vector<16xi32>
        %mul3A_100 = arith.constant 0 : i32
        %mul3A_101 = vector.broadcast %mul3A_100 : i32 to vector<16xi32>
        %mul3A_102 = arith.muli %add3A_34, %mul3A_101 : vector<16xi32>
        tpu.vector_store_idx %arg13[%mul3A_102, %add3A_99], %min3A_60 : memref<4x2560xf32, #tpu.memory_space<vmem>>[vector<16xi32>, vector<16xi32>], vector<16xf32>,
        %mul3A_103 = arith.constant 0 : i32
        %mul3A_104 = vector.broadcast %mul3A_103 : i32 to vector<16xi32>
        %mul3A_105 = arith.muli %add3A_34, %mul3A_104 : vector<16xi32>
        %add3A_106 = arith.constant 1 : i32
        %add3A_107 = vector.broadcast %add3A_106 : i32 to vector<16xi32>
        %add3A_108 = arith.addi %mul3A_105, %add3A_107 : vector<16xi32>
        tpu.vector_store_idx %arg13[%add3A_108, %add3A_99], %min3A_71 : memref<4x2560xf32, #tpu.memory_space<vmem>>[vector<16xi32>, vector<16xi32>], vector<16xf32>,
        %mul3A_109 = arith.constant 0 : i32
        %mul3A_110 = vector.broadcast %mul3A_109 : i32 to vector<16xi32>
        %mul3A_111 = arith.muli %add3A_34, %mul3A_110 : vector<16xi32>
        %add3A_112 = arith.constant 2 : i32
        %add3A_113 = vector.broadcast %add3A_112 : i32 to vector<16xi32>
        %add3A_114 = arith.addi %mul3A_111, %add3A_113 : vector<16xi32>
        tpu.vector_store_idx %arg13[%add3A_114, %add3A_99], %min3A_82 : memref<4x2560xf32, #tpu.memory_space<vmem>>[vector<16xi32>, vector<16xi32>], vector<16xf32>,
        %mul3A_115 = arith.constant 0 : i32
        %mul3A_116 = vector.broadcast %mul3A_115 : i32 to vector<16xi32>
        %mul3A_117 = arith.muli %add3A_34, %mul3A_116 : vector<16xi32>
        %add3A_118 = arith.constant 3 : i32
        %add3A_119 = vector.broadcast %add3A_118 : i32 to vector<16xi32>
        %add3A_120 = arith.addi %mul3A_117, %add3A_119 : vector<16xi32>
        tpu.vector_store_idx %arg13[%add3A_120, %add3A_99], %min3A_93 : memref<4x2560xf32, #tpu.memory_space<vmem>>[vector<16xi32>, vector<16xi32>], vector<16xf32>,
        %get3A_121 = arith.index_cast %scan3A_16 : i32 to index
        %get3A_122 = arith.constant 16 : index
        %get3A_123 = tpu.vector_load %arg9[%get3A_121, %get3A_122] {strides = array<i32>} : memref<32x80xi32, #tpu.memory_space<vmem>>, vector<16xi32>,
        %gather3A_124 = tpu.vector_load_idx %arg8[%add3A_34, %get3A_123] : memref<32x784xf32, #tpu.memory_space<vmem>>[vector<16xi32>, vector<16xi32>], vector<16xf32>,
        %add3A_125 = arith.constant 196 : i32
        %add3A_126 = vector.broadcast %add3A_125 : i32 to vector<16xi32>
        %add3A_127 = arith.addi %get3A_123, %add3A_126 : vector<16xi32>
        %gather3A_128 = tpu.vector_load_idx %arg8[%add3A_34, %add3A_127] : memref<32x784xf32, #tpu.memory_space<vmem>>[vector<16xi32>, vector<16xi32>], vector<16xf32>,
        %add3A_129 = arith.constant 392 : i32
        %add3A_130 = vector.broadcast %add3A_129 : i32 to vector<16xi32>
        %add3A_131 = arith.addi %get3A_123, %add3A_130 : vector<16xi32>
        %gather3A_132 = tpu.vector_load_idx %arg8[%add3A_34, %add3A_131] : memref<32x784xf32, #tpu.memory_space<vmem>>[vector<16xi32>, vector<16xi32>], vector<16xf32>,
        %add3A_133 = arith.constant 588 : i32
        %add3A_134 = vector.broadcast %add3A_133 : i32 to vector<16xi32>
        %add3A_135 = arith.addi %get3A_123, %add3A_134 : vector<16xi32>
        %gather3A_136 = tpu.vector_load_idx %arg8[%add3A_34, %add3A_135] : memref<32x784xf32, #tpu.memory_space<vmem>>[vector<16xi32>, vector<16xi32>], vector<16xf32>,
        %gather3A_137 = tpu.vector_load_idx %arg10[%get3A_123] : memref<196xf32, #tpu.memory_space<vmem>>[vector<16xi32>], vector<16xf32>,
        %gather3A_138 = tpu.vector_load_idx %arg11[%get3A_123] : memref<196xf32, #tpu.memory_space<vmem>>[vector<16xi32>], vector<16xf32>,
        %sub3A_139 = arith.subf %gather3A_137, %gather3A_124 : vector<16xf32>
        %mul3A_140 = vector.broadcast %mul3A_24 : f32 to vector<16xf32>
        %mul3A_141 = arith.mulf %sub3A_139, %mul3A_140 : vector<16xf32>
        %add3A_142 = vector.broadcast %squeeze3A : f32 to vector<16xf32>
        %add3A_143 = arith.addf %mul3A_141, %add3A_142 : vector<16xf32>
        %max3A_144 = arith.constant 0.000000e+00 : f32
        %max3A_145 = vector.broadcast %max3A_144 : f32 to vector<16xf32>
        %max3A_146 = arith.maximumf %add3A_143, %max3A_145 : vector<16xf32>
        %min3A_147 = arith.constant 1.023000e+03 : f32
        %min3A_148 = vector.broadcast %min3A_147 : f32 to vector<16xf32>
        %min3A_149 = arith.minimumf %max3A_146, %min3A_148 : vector<16xf32>
        %sub3A_150 = arith.subf %gather3A_138, %gather3A_128 : vector<16xf32>
        %mul3A_151 = vector.broadcast %mul3A_29 : f32 to vector<16xf32>
        %mul3A_152 = arith.mulf %sub3A_150, %mul3A_151 : vector<16xf32>
        %add3A_153 = vector.broadcast %squeeze3A_20 : f32 to vector<16xf32>
        %add3A_154 = arith.addf %mul3A_152, %add3A_153 : vector<16xf32>
        %max3A_155 = arith.constant 0.000000e+00 : f32
        %max3A_156 = vector.broadcast %max3A_155 : f32 to vector<16xf32>
        %max3A_157 = arith.maximumf %add3A_154, %max3A_156 : vector<16xf32>
        %min3A_158 = arith.constant 1.023000e+03 : f32
        %min3A_159 = vector.broadcast %min3A_158 : f32 to vector<16xf32>
        %min3A_160 = arith.minimumf %max3A_157, %min3A_159 : vector<16xf32>
        %add3A_161 = arith.addf %gather3A_137, %gather3A_132 : vector<16xf32>
        %mul3A_162 = vector.broadcast %mul3A_24 : f32 to vector<16xf32>
        %mul3A_163 = arith.mulf %add3A_161, %mul3A_162 : vector<16xf32>
        %add3A_164 = vector.broadcast %squeeze3A : f32 to vector<16xf32>
        %add3A_165 = arith.addf %mul3A_163, %add3A_164 : vector<16xf32>
        %max3A_166 = arith.constant 0.000000e+00 : f32
        %max3A_167 = vector.broadcast %max3A_166 : f32 to vector<16xf32>
        %max3A_168 = arith.maximumf %add3A_165, %max3A_167 : vector<16xf32>
        %min3A_169 = arith.constant 1.023000e+03 : f32
        %min3A_170 = vector.broadcast %min3A_169 : f32 to vector<16xf32>
        %min3A_171 = arith.minimumf %max3A_168, %min3A_170 : vector<16xf32>
        %add3A_172 = arith.addf %gather3A_138, %gather3A_136 : vector<16xf32>
        %mul3A_173 = vector.broadcast %mul3A_29 : f32 to vector<16xf32>
        %mul3A_174 = arith.mulf %add3A_172, %mul3A_173 : vector<16xf32>
        %add3A_175 = vector.broadcast %squeeze3A_20 : f32 to vector<16xf32>
        %add3A_176 = arith.addf %mul3A_174, %add3A_175 : vector<16xf32>
        %max3A_177 = arith.constant 0.000000e+00 : f32
        %max3A_178 = vector.broadcast %max3A_177 : f32 to vector<16xf32>
        %max3A_179 = arith.maximumf %add3A_176, %max3A_178 : vector<16xf32>
        %min3A_180 = arith.constant 1.023000e+03 : f32
        %min3A_181 = vector.broadcast %min3A_180 : f32 to vector<16xf32>
        %min3A_182 = arith.minimumf %max3A_179, %min3A_181 : vector<16xf32>
        %mul3A_183 = arith.constant 80 : i32
        %mul3A_184 = arith.muli %scan3A_16, %mul3A_183 : i32
        %add3A_185 = arith.constant 16 : i32
        %add3A_186 = arith.addi %mul3A_184, %add3A_185 : i32
        %add3A_187 = vector.broadcast %add3A_186 : i32 to vector<16xi32>
        %add3A_188 = arith.addi %add3A_187, %iota3A : vector<16xi32>
        %mul3A_189 = arith.constant 0 : i32
        %mul3A_190 = vector.broadcast %mul3A_189 : i32 to vector<16xi32>
        %mul3A_191 = arith.muli %add3A_34, %mul3A_190 : vector<16xi32>
        tpu.vector_store_idx %arg13[%mul3A_191, %add3A_188], %min3A_149 : memref<4x2560xf32, #tpu.memory_space<vmem>>[vector<16xi32>, vector<16xi32>], vector<16xf32>,
        %mul3A_192 = arith.constant 0 : i32
        %mul3A_193 = vector.broadcast %mul3A_192 : i32 to vector<16xi32>
        %mul3A_194 = arith.muli %add3A_34, %mul3A_193 : vector<16xi32>
        %add3A_195 = arith.constant 1 : i32
        %add3A_196 = vector.broadcast %add3A_195 : i32 to vector<16xi32>
        %add3A_197 = arith.addi %mul3A_194, %add3A_196 : vector<16xi32>
        tpu.vector_store_idx %arg13[%add3A_197, %add3A_188], %min3A_160 : memref<4x2560xf32, #tpu.memory_space<vmem>>[vector<16xi32>, vector<16xi32>], vector<16xf32>,
        %mul3A_198 = arith.constant 0 : i32
        %mul3A_199 = vector.broadcast %mul3A_198 : i32 to vector<16xi32>
        %mul3A_200 = arith.muli %add3A_34, %mul3A_199 : vector<16xi32>
        %add3A_201 = arith.constant 2 : i32
        %add3A_202 = vector.broadcast %add3A_201 : i32 to vector<16xi32>
        %add3A_203 = arith.addi %mul3A_200, %add3A_202 : vector<16xi32>
        tpu.vector_store_idx %arg13[%add3A_203, %add3A_188], %min3A_171 : memref<4x2560xf32, #tpu.memory_space<vmem>>[vector<16xi32>, vector<16xi32>], vector<16xf32>,
        %mul3A_204 = arith.constant 0 : i32
        %mul3A_205 = vector.broadcast %mul3A_204 : i32 to vector<16xi32>
        %mul3A_206 = arith.muli %add3A_34, %mul3A_205 : vector<16xi32>
        %add3A_207 = arith.constant 3 : i32
        %add3A_208 = vector.broadcast %add3A_207 : i32 to vector<16xi32>
        %add3A_209 = arith.addi %mul3A_206, %add3A_208 : vector<16xi32>
        tpu.vector_store_idx %arg13[%add3A_209, %add3A_188], %min3A_182 : memref<4x2560xf32, #tpu.memory_space<vmem>>[vector<16xi32>, vector<16xi32>], vector<16xf32>,
        %get3A_210 = arith.index_cast %scan3A_16 : i32 to index
        %get3A_211 = arith.constant 32 : index
        %get3A_212 = tpu.vector_load %arg9[%get3A_210, %get3A_211] {strides = array<i32>} : memref<32x80xi32, #tpu.memory_space<vmem>>, vector<16xi32>,
        %gather3A_213 = tpu.vector_load_idx %arg8[%add3A_34, %get3A_212] : memref<32x784xf32, #tpu.memory_space<vmem>>[vector<16xi32>, vector<16xi32>], vector<16xf32>,
        %add3A_214 = arith.constant 196 : i32
        %add3A_215 = vector.broadcast %add3A_214 : i32 to vector<16xi32>
        %add3A_216 = arith.addi %get3A_212, %add3A_215 : vector<16xi32>
        %gather3A_217 = tpu.vector_load_idx %arg8[%add3A_34, %add3A_216] : memref<32x784xf32, #tpu.memory_space<vmem>>[vector<16xi32>, vector<16xi32>], vector<16xf32>,
        %add3A_218 = arith.constant 392 : i32
        %add3A_219 = vector.broadcast %add3A_218 : i32 to vector<16xi32>
        %add3A_220 = arith.addi %get3A_212, %add3A_219 : vector<16xi32>
        %gather3A_221 = tpu.vector_load_idx %arg8[%add3A_34, %add3A_220] : memref<32x784xf32, #tpu.memory_space<vmem>>[vector<16xi32>, vector<16xi32>], vector<16xf32>,
        %add3A_222 = arith.constant 588 : i32
        %add3A_223 = vector.broadcast %add3A_222 : i32 to vector<16xi32>
        %add3A_224 = arith.addi %get3A_212, %add3A_223 : vector<16xi32>
        %gather3A_225 = tpu.vector_load_idx %arg8[%add3A_34, %add3A_224] : memref<32x784xf32, #tpu.memory_space<vmem>>[vector<16xi32>, vector<16xi32>], vector<16xf32>,
        %gather3A_226 = tpu.vector_load_idx %arg10[%get3A_212] : memref<196xf32, #tpu.memory_space<vmem>>[vector<16xi32>], vector<16xf32>,
        %gather3A_227 = tpu.vector_load_idx %arg11[%get3A_212] : memref<196xf32, #tpu.memory_space<vmem>>[vector<16xi32>], vector<16xf32>,
        %sub3A_228 = arith.subf %gather3A_226, %gather3A_213 : vector<16xf32>
        %mul3A_229 = vector.broadcast %mul3A_24 : f32 to vector<16xf32>
        %mul3A_230 = arith.mulf %sub3A_228, %mul3A_229 : vector<16xf32>
        %add3A_231 = vector.broadcast %squeeze3A : f32 to vector<16xf32>
        %add3A_232 = arith.addf %mul3A_230, %add3A_231 : vector<16xf32>
        %max3A_233 = arith.constant 0.000000e+00 : f32
        %max3A_234 = vector.broadcast %max3A_233 : f32 to vector<16xf32>
        %max3A_235 = arith.maximumf %add3A_232, %max3A_234 : vector<16xf32>
        %min3A_236 = arith.constant 1.023000e+03 : f32
        %min3A_237 = vector.broadcast %min3A_236 : f32 to vector<16xf32>
        %min3A_238 = arith.minimumf %max3A_235, %min3A_237 : vector<16xf32>
        %sub3A_239 = arith.subf %gather3A_227, %gather3A_217 : vector<16xf32>
        %mul3A_240 = vector.broadcast %mul3A_29 : f32 to vector<16xf32>
        %mul3A_241 = arith.mulf %sub3A_239, %mul3A_240 : vector<16xf32>
        %add3A_242 = vector.broadcast %squeeze3A_20 : f32 to vector<16xf32>
        %add3A_243 = arith.addf %mul3A_241, %add3A_242 : vector<16xf32>
        %max3A_244 = arith.constant 0.000000e+00 : f32
        %max3A_245 = vector.broadcast %max3A_244 : f32 to vector<16xf32>
        %max3A_246 = arith.maximumf %add3A_243, %max3A_245 : vector<16xf32>
        %min3A_247 = arith.constant 1.023000e+03 : f32
        %min3A_248 = vector.broadcast %min3A_247 : f32 to vector<16xf32>
        %min3A_249 = arith.minimumf %max3A_246, %min3A_248 : vector<16xf32>
        %add3A_250 = arith.addf %gather3A_226, %gather3A_221 : vector<16xf32>
        %mul3A_251 = vector.broadcast %mul3A_24 : f32 to vector<16xf32>
        %mul3A_252 = arith.mulf %add3A_250, %mul3A_251 : vector<16xf32>
        %add3A_253 = vector.broadcast %squeeze3A : f32 to vector<16xf32>
        %add3A_254 = arith.addf %mul3A_252, %add3A_253 : vector<16xf32>
        %max3A_255 = arith.constant 0.000000e+00 : f32
        %max3A_256 = vector.broadcast %max3A_255 : f32 to vector<16xf32>
        %max3A_257 = arith.maximumf %add3A_254, %max3A_256 : vector<16xf32>
        %min3A_258 = arith.constant 1.023000e+03 : f32
        %min3A_259 = vector.broadcast %min3A_258 : f32 to vector<16xf32>
        %min3A_260 = arith.minimumf %max3A_257, %min3A_259 : vector<16xf32>
        %add3A_261 = arith.addf %gather3A_227, %gather3A_225 : vector<16xf32>
        %mul3A_262 = vector.broadcast %mul3A_29 : f32 to vector<16xf32>
        %mul3A_263 = arith.mulf %add3A_261, %mul3A_262 : vector<16xf32>
        %add3A_264 = vector.broadcast %squeeze3A_20 : f32 to vector<16xf32>
        %add3A_265 = arith.addf %mul3A_263, %add3A_264 : vector<16xf32>
        %max3A_266 = arith.constant 0.000000e+00 : f32
        %max3A_267 = vector.broadcast %max3A_266 : f32 to vector<16xf32>
        %max3A_268 = arith.maximumf %add3A_265, %max3A_267 : vector<16xf32>
        %min3A_269 = arith.constant 1.023000e+03 : f32
        %min3A_270 = vector.broadcast %min3A_269 : f32 to vector<16xf32>
        %min3A_271 = arith.minimumf %max3A_268, %min3A_270 : vector<16xf32>
        %mul3A_272 = arith.constant 80 : i32
        %mul3A_273 = arith.muli %scan3A_16, %mul3A_272 : i32
        %add3A_274 = arith.constant 32 : i32
        %add3A_275 = arith.addi %mul3A_273, %add3A_274 : i32
        %add3A_276 = vector.broadcast %add3A_275 : i32 to vector<16xi32>
        %add3A_277 = arith.addi %add3A_276, %iota3A : vector<16xi32>
        %mul3A_278 = arith.constant 0 : i32
        %mul3A_279 = vector.broadcast %mul3A_278 : i32 to vector<16xi32>
        %mul3A_280 = arith.muli %add3A_34, %mul3A_279 : vector<16xi32>
        tpu.vector_store_idx %arg13[%mul3A_280, %add3A_277], %min3A_238 : memref<4x2560xf32, #tpu.memory_space<vmem>>[vector<16xi32>, vector<16xi32>], vector<16xf32>,
        %mul3A_281 = arith.constant 0 : i32
        %mul3A_282 = vector.broadcast %mul3A_281 : i32 to vector<16xi32>
        %mul3A_283 = arith.muli %add3A_34, %mul3A_282 : vector<16xi32>
        %add3A_284 = arith.constant 1 : i32
        %add3A_285 = vector.broadcast %add3A_284 : i32 to vector<16xi32>
        %add3A_286 = arith.addi %mul3A_283, %add3A_285 : vector<16xi32>
        tpu.vector_store_idx %arg13[%add3A_286, %add3A_277], %min3A_249 : memref<4x2560xf32, #tpu.memory_space<vmem>>[vector<16xi32>, vector<16xi32>], vector<16xf32>,
        %mul3A_287 = arith.constant 0 : i32
        %mul3A_288 = vector.broadcast %mul3A_287 : i32 to vector<16xi32>
        %mul3A_289 = arith.muli %add3A_34, %mul3A_288 : vector<16xi32>
        %add3A_290 = arith.constant 2 : i32
        %add3A_291 = vector.broadcast %add3A_290 : i32 to vector<16xi32>
        %add3A_292 = arith.addi %mul3A_289, %add3A_291 : vector<16xi32>
        tpu.vector_store_idx %arg13[%add3A_292, %add3A_277], %min3A_260 : memref<4x2560xf32, #tpu.memory_space<vmem>>[vector<16xi32>, vector<16xi32>], vector<16xf32>,
        %mul3A_293 = arith.constant 0 : i32
        %mul3A_294 = vector.broadcast %mul3A_293 : i32 to vector<16xi32>
        %mul3A_295 = arith.muli %add3A_34, %mul3A_294 : vector<16xi32>
        %add3A_296 = arith.constant 3 : i32
        %add3A_297 = vector.broadcast %add3A_296 : i32 to vector<16xi32>
        %add3A_298 = arith.addi %mul3A_295, %add3A_297 : vector<16xi32>
        tpu.vector_store_idx %arg13[%add3A_298, %add3A_277], %min3A_271 : memref<4x2560xf32, #tpu.memory_space<vmem>>[vector<16xi32>, vector<16xi32>], vector<16xf32>,
        %get3A_299 = arith.index_cast %scan3A_16 : i32 to index
        %get3A_300 = arith.constant 48 : index
        %get3A_301 = tpu.vector_load %arg9[%get3A_299, %get3A_300] {strides = array<i32>} : memref<32x80xi32, #tpu.memory_space<vmem>>, vector<16xi32>,
        %gather3A_302 = tpu.vector_load_idx %arg8[%add3A_34, %get3A_301] : memref<32x784xf32, #tpu.memory_space<vmem>>[vector<16xi32>, vector<16xi32>], vector<16xf32>,
        %add3A_303 = arith.constant 196 : i32
        %add3A_304 = vector.broadcast %add3A_303 : i32 to vector<16xi32>
        %add3A_305 = arith.addi %get3A_301, %add3A_304 : vector<16xi32>
        %gather3A_306 = tpu.vector_load_idx %arg8[%add3A_34, %add3A_305] : memref<32x784xf32, #tpu.memory_space<vmem>>[vector<16xi32>, vector<16xi32>], vector<16xf32>,
        %add3A_307 = arith.constant 392 : i32
        %add3A_308 = vector.broadcast %add3A_307 : i32 to vector<16xi32>
        %add3A_309 = arith.addi %get3A_301, %add3A_308 : vector<16xi32>
        %gather3A_310 = tpu.vector_load_idx %arg8[%add3A_34, %add3A_309] : memref<32x784xf32, #tpu.memory_space<vmem>>[vector<16xi32>, vector<16xi32>], vector<16xf32>,
        %add3A_311 = arith.constant 588 : i32
        %add3A_312 = vector.broadcast %add3A_311 : i32 to vector<16xi32>
        %add3A_313 = arith.addi %get3A_301, %add3A_312 : vector<16xi32>
        %gather3A_314 = tpu.vector_load_idx %arg8[%add3A_34, %add3A_313] : memref<32x784xf32, #tpu.memory_space<vmem>>[vector<16xi32>, vector<16xi32>], vector<16xf32>,
        %gather3A_315 = tpu.vector_load_idx %arg10[%get3A_301] : memref<196xf32, #tpu.memory_space<vmem>>[vector<16xi32>], vector<16xf32>,
        %gather3A_316 = tpu.vector_load_idx %arg11[%get3A_301] : memref<196xf32, #tpu.memory_space<vmem>>[vector<16xi32>], vector<16xf32>,
        %sub3A_317 = arith.subf %gather3A_315, %gather3A_302 : vector<16xf32>
        %mul3A_318 = vector.broadcast %mul3A_24 : f32 to vector<16xf32>
        %mul3A_319 = arith.mulf %sub3A_317, %mul3A_318 : vector<16xf32>
        %add3A_320 = vector.broadcast %squeeze3A : f32 to vector<16xf32>
        %add3A_321 = arith.addf %mul3A_319, %add3A_320 : vector<16xf32>
        %max3A_322 = arith.constant 0.000000e+00 : f32
        %max3A_323 = vector.broadcast %max3A_322 : f32 to vector<16xf32>
        %max3A_324 = arith.maximumf %add3A_321, %max3A_323 : vector<16xf32>
        %min3A_325 = arith.constant 1.023000e+03 : f32
        %min3A_326 = vector.broadcast %min3A_325 : f32 to vector<16xf32>
        %min3A_327 = arith.minimumf %max3A_324, %min3A_326 : vector<16xf32>
        %sub3A_328 = arith.subf %gather3A_316, %gather3A_306 : vector<16xf32>
        %mul3A_329 = vector.broadcast %mul3A_29 : f32 to vector<16xf32>
        %mul3A_330 = arith.mulf %sub3A_328, %mul3A_329 : vector<16xf32>
        %add3A_331 = vector.broadcast %squeeze3A_20 : f32 to vector<16xf32>
        %add3A_332 = arith.addf %mul3A_330, %add3A_331 : vector<16xf32>
        %max3A_333 = arith.constant 0.000000e+00 : f32
        %max3A_334 = vector.broadcast %max3A_333 : f32 to vector<16xf32>
        %max3A_335 = arith.maximumf %add3A_332, %max3A_334 : vector<16xf32>
        %min3A_336 = arith.constant 1.023000e+03 : f32
        %min3A_337 = vector.broadcast %min3A_336 : f32 to vector<16xf32>
        %min3A_338 = arith.minimumf %max3A_335, %min3A_337 : vector<16xf32>
        %add3A_339 = arith.addf %gather3A_315, %gather3A_310 : vector<16xf32>
        %mul3A_340 = vector.broadcast %mul3A_24 : f32 to vector<16xf32>
        %mul3A_341 = arith.mulf %add3A_339, %mul3A_340 : vector<16xf32>
        %add3A_342 = vector.broadcast %squeeze3A : f32 to vector<16xf32>
        %add3A_343 = arith.addf %mul3A_341, %add3A_342 : vector<16xf32>
        %max3A_344 = arith.constant 0.000000e+00 : f32
        %max3A_345 = vector.broadcast %max3A_344 : f32 to vector<16xf32>
        %max3A_346 = arith.maximumf %add3A_343, %max3A_345 : vector<16xf32>
        %min3A_347 = arith.constant 1.023000e+03 : f32
        %min3A_348 = vector.broadcast %min3A_347 : f32 to vector<16xf32>
        %min3A_349 = arith.minimumf %max3A_346, %min3A_348 : vector<16xf32>
        %add3A_350 = arith.addf %gather3A_316, %gather3A_314 : vector<16xf32>
        %mul3A_351 = vector.broadcast %mul3A_29 : f32 to vector<16xf32>
        %mul3A_352 = arith.mulf %add3A_350, %mul3A_351 : vector<16xf32>
        %add3A_353 = vector.broadcast %squeeze3A_20 : f32 to vector<16xf32>
        %add3A_354 = arith.addf %mul3A_352, %add3A_353 : vector<16xf32>
        %max3A_355 = arith.constant 0.000000e+00 : f32
        %max3A_356 = vector.broadcast %max3A_355 : f32 to vector<16xf32>
        %max3A_357 = arith.maximumf %add3A_354, %max3A_356 : vector<16xf32>
        %min3A_358 = arith.constant 1.023000e+03 : f32
        %min3A_359 = vector.broadcast %min3A_358 : f32 to vector<16xf32>
        %min3A_360 = arith.minimumf %max3A_357, %min3A_359 : vector<16xf32>
        %mul3A_361 = arith.constant 80 : i32
        %mul3A_362 = arith.muli %scan3A_16, %mul3A_361 : i32
        %add3A_363 = arith.constant 48 : i32
        %add3A_364 = arith.addi %mul3A_362, %add3A_363 : i32
        %add3A_365 = vector.broadcast %add3A_364 : i32 to vector<16xi32>
        %add3A_366 = arith.addi %add3A_365, %iota3A : vector<16xi32>
        %mul3A_367 = arith.constant 0 : i32
        %mul3A_368 = vector.broadcast %mul3A_367 : i32 to vector<16xi32>
        %mul3A_369 = arith.muli %add3A_34, %mul3A_368 : vector<16xi32>
        tpu.vector_store_idx %arg13[%mul3A_369, %add3A_366], %min3A_327 : memref<4x2560xf32, #tpu.memory_space<vmem>>[vector<16xi32>, vector<16xi32>], vector<16xf32>,
        %mul3A_370 = arith.constant 0 : i32
        %mul3A_371 = vector.broadcast %mul3A_370 : i32 to vector<16xi32>
        %mul3A_372 = arith.muli %add3A_34, %mul3A_371 : vector<16xi32>
        %add3A_373 = arith.constant 1 : i32
        %add3A_374 = vector.broadcast %add3A_373 : i32 to vector<16xi32>
        %add3A_375 = arith.addi %mul3A_372, %add3A_374 : vector<16xi32>
        tpu.vector_store_idx %arg13[%add3A_375, %add3A_366], %min3A_338 : memref<4x2560xf32, #tpu.memory_space<vmem>>[vector<16xi32>, vector<16xi32>], vector<16xf32>,
        %mul3A_376 = arith.constant 0 : i32
        %mul3A_377 = vector.broadcast %mul3A_376 : i32 to vector<16xi32>
        %mul3A_378 = arith.muli %add3A_34, %mul3A_377 : vector<16xi32>
        %add3A_379 = arith.constant 2 : i32
        %add3A_380 = vector.broadcast %add3A_379 : i32 to vector<16xi32>
        %add3A_381 = arith.addi %mul3A_378, %add3A_380 : vector<16xi32>
        tpu.vector_store_idx %arg13[%add3A_381, %add3A_366], %min3A_349 : memref<4x2560xf32, #tpu.memory_space<vmem>>[vector<16xi32>, vector<16xi32>], vector<16xf32>,
        %mul3A_382 = arith.constant 0 : i32
        %mul3A_383 = vector.broadcast %mul3A_382 : i32 to vector<16xi32>
        %mul3A_384 = arith.muli %add3A_34, %mul3A_383 : vector<16xi32>
        %add3A_385 = arith.constant 3 : i32
        %add3A_386 = vector.broadcast %add3A_385 : i32 to vector<16xi32>
        %add3A_387 = arith.addi %mul3A_384, %add3A_386 : vector<16xi32>
        tpu.vector_store_idx %arg13[%add3A_387, %add3A_366], %min3A_360 : memref<4x2560xf32, #tpu.memory_space<vmem>>[vector<16xi32>, vector<16xi32>], vector<16xf32>,
        %get3A_388 = arith.index_cast %scan3A_16 : i32 to index
        %get3A_389 = arith.constant 64 : index
        %get3A_390 = tpu.vector_load %arg9[%get3A_388, %get3A_389] {strides = array<i32>} : memref<32x80xi32, #tpu.memory_space<vmem>>, vector<16xi32>,
        %gather3A_391 = tpu.vector_load_idx %arg8[%add3A_34, %get3A_390] : memref<32x784xf32, #tpu.memory_space<vmem>>[vector<16xi32>, vector<16xi32>], vector<16xf32>,
        %add3A_392 = arith.constant 196 : i32
        %add3A_393 = vector.broadcast %add3A_392 : i32 to vector<16xi32>
        %add3A_394 = arith.addi %get3A_390, %add3A_393 : vector<16xi32>
        %gather3A_395 = tpu.vector_load_idx %arg8[%add3A_34, %add3A_394] : memref<32x784xf32, #tpu.memory_space<vmem>>[vector<16xi32>, vector<16xi32>], vector<16xf32>,
        %add3A_396 = arith.constant 392 : i32
        %add3A_397 = vector.broadcast %add3A_396 : i32 to vector<16xi32>
        %add3A_398 = arith.addi %get3A_390, %add3A_397 : vector<16xi32>
        %gather3A_399 = tpu.vector_load_idx %arg8[%add3A_34, %add3A_398] : memref<32x784xf32, #tpu.memory_space<vmem>>[vector<16xi32>, vector<16xi32>], vector<16xf32>,
        %add3A_400 = arith.constant 588 : i32
        %add3A_401 = vector.broadcast %add3A_400 : i32 to vector<16xi32>
        %add3A_402 = arith.addi %get3A_390, %add3A_401 : vector<16xi32>
        %gather3A_403 = tpu.vector_load_idx %arg8[%add3A_34, %add3A_402] : memref<32x784xf32, #tpu.memory_space<vmem>>[vector<16xi32>, vector<16xi32>], vector<16xf32>,
        %gather3A_404 = tpu.vector_load_idx %arg10[%get3A_390] : memref<196xf32, #tpu.memory_space<vmem>>[vector<16xi32>], vector<16xf32>,
        %gather3A_405 = tpu.vector_load_idx %arg11[%get3A_390] : memref<196xf32, #tpu.memory_space<vmem>>[vector<16xi32>], vector<16xf32>,
        %sub3A_406 = arith.subf %gather3A_404, %gather3A_391 : vector<16xf32>
        %mul3A_407 = vector.broadcast %mul3A_24 : f32 to vector<16xf32>
        %mul3A_408 = arith.mulf %sub3A_406, %mul3A_407 : vector<16xf32>
        %add3A_409 = vector.broadcast %squeeze3A : f32 to vector<16xf32>
        %add3A_410 = arith.addf %mul3A_408, %add3A_409 : vector<16xf32>
        %max3A_411 = arith.constant 0.000000e+00 : f32
        %max3A_412 = vector.broadcast %max3A_411 : f32 to vector<16xf32>
        %max3A_413 = arith.maximumf %add3A_410, %max3A_412 : vector<16xf32>
        %min3A_414 = arith.constant 1.023000e+03 : f32
        %min3A_415 = vector.broadcast %min3A_414 : f32 to vector<16xf32>
        %min3A_416 = arith.minimumf %max3A_413, %min3A_415 : vector<16xf32>
        %sub3A_417 = arith.subf %gather3A_405, %gather3A_395 : vector<16xf32>
        %mul3A_418 = vector.broadcast %mul3A_29 : f32 to vector<16xf32>
        %mul3A_419 = arith.mulf %sub3A_417, %mul3A_418 : vector<16xf32>
        %add3A_420 = vector.broadcast %squeeze3A_20 : f32 to vector<16xf32>
        %add3A_421 = arith.addf %mul3A_419, %add3A_420 : vector<16xf32>
        %max3A_422 = arith.constant 0.000000e+00 : f32
        %max3A_423 = vector.broadcast %max3A_422 : f32 to vector<16xf32>
        %max3A_424 = arith.maximumf %add3A_421, %max3A_423 : vector<16xf32>
        %min3A_425 = arith.constant 1.023000e+03 : f32
        %min3A_426 = vector.broadcast %min3A_425 : f32 to vector<16xf32>
        %min3A_427 = arith.minimumf %max3A_424, %min3A_426 : vector<16xf32>
        %add3A_428 = arith.addf %gather3A_404, %gather3A_399 : vector<16xf32>
        %mul3A_429 = vector.broadcast %mul3A_24 : f32 to vector<16xf32>
        %mul3A_430 = arith.mulf %add3A_428, %mul3A_429 : vector<16xf32>
        %add3A_431 = vector.broadcast %squeeze3A : f32 to vector<16xf32>
        %add3A_432 = arith.addf %mul3A_430, %add3A_431 : vector<16xf32>
        %max3A_433 = arith.constant 0.000000e+00 : f32
        %max3A_434 = vector.broadcast %max3A_433 : f32 to vector<16xf32>
        %max3A_435 = arith.maximumf %add3A_432, %max3A_434 : vector<16xf32>
        %min3A_436 = arith.constant 1.023000e+03 : f32
        %min3A_437 = vector.broadcast %min3A_436 : f32 to vector<16xf32>
        %min3A_438 = arith.minimumf %max3A_435, %min3A_437 : vector<16xf32>
        %add3A_439 = arith.addf %gather3A_405, %gather3A_403 : vector<16xf32>
        %mul3A_440 = vector.broadcast %mul3A_29 : f32 to vector<16xf32>
        %mul3A_441 = arith.mulf %add3A_439, %mul3A_440 : vector<16xf32>
        %add3A_442 = vector.broadcast %squeeze3A_20 : f32 to vector<16xf32>
        %add3A_443 = arith.addf %mul3A_441, %add3A_442 : vector<16xf32>
        %max3A_444 = arith.constant 0.000000e+00 : f32
        %max3A_445 = vector.broadcast %max3A_444 : f32 to vector<16xf32>
        %max3A_446 = arith.maximumf %add3A_443, %max3A_445 : vector<16xf32>
        %min3A_447 = arith.constant 1.023000e+03 : f32
        %min3A_448 = vector.broadcast %min3A_447 : f32 to vector<16xf32>
        %min3A_449 = arith.minimumf %max3A_446, %min3A_448 : vector<16xf32>
        %mul3A_450 = arith.constant 80 : i32
        %mul3A_451 = arith.muli %scan3A_16, %mul3A_450 : i32
        %add3A_452 = arith.constant 64 : i32
        %add3A_453 = arith.addi %mul3A_451, %add3A_452 : i32
        %add3A_454 = vector.broadcast %add3A_453 : i32 to vector<16xi32>
        %add3A_455 = arith.addi %add3A_454, %iota3A : vector<16xi32>
        %mul3A_456 = arith.constant 0 : i32
        %mul3A_457 = vector.broadcast %mul3A_456 : i32 to vector<16xi32>
        %mul3A_458 = arith.muli %add3A_34, %mul3A_457 : vector<16xi32>
        tpu.vector_store_idx %arg13[%mul3A_458, %add3A_455], %min3A_416 : memref<4x2560xf32, #tpu.memory_space<vmem>>[vector<16xi32>, vector<16xi32>], vector<16xf32>,
        %mul3A_459 = arith.constant 0 : i32
        %mul3A_460 = vector.broadcast %mul3A_459 : i32 to vector<16xi32>
        %mul3A_461 = arith.muli %add3A_34, %mul3A_460 : vector<16xi32>
        %add3A_462 = arith.constant 1 : i32
        %add3A_463 = vector.broadcast %add3A_462 : i32 to vector<16xi32>
        %add3A_464 = arith.addi %mul3A_461, %add3A_463 : vector<16xi32>
        tpu.vector_store_idx %arg13[%add3A_464, %add3A_455], %min3A_427 : memref<4x2560xf32, #tpu.memory_space<vmem>>[vector<16xi32>, vector<16xi32>], vector<16xf32>,
        %mul3A_465 = arith.constant 0 : i32
        %mul3A_466 = vector.broadcast %mul3A_465 : i32 to vector<16xi32>
        %mul3A_467 = arith.muli %add3A_34, %mul3A_466 : vector<16xi32>
        %add3A_468 = arith.constant 2 : i32
        %add3A_469 = vector.broadcast %add3A_468 : i32 to vector<16xi32>
        %add3A_470 = arith.addi %mul3A_467, %add3A_469 : vector<16xi32>
        tpu.vector_store_idx %arg13[%add3A_470, %add3A_455], %min3A_438 : memref<4x2560xf32, #tpu.memory_space<vmem>>[vector<16xi32>, vector<16xi32>], vector<16xf32>,
        %mul3A_471 = arith.constant 0 : i32
        %mul3A_472 = vector.broadcast %mul3A_471 : i32 to vector<16xi32>
        %mul3A_473 = arith.muli %add3A_34, %mul3A_472 : vector<16xi32>
        %add3A_474 = arith.constant 3 : i32
        %add3A_475 = vector.broadcast %add3A_474 : i32 to vector<16xi32>
        %add3A_476 = arith.addi %mul3A_473, %add3A_475 : vector<16xi32>
        tpu.vector_store_idx %arg13[%add3A_476, %add3A_455], %min3A_449 : memref<4x2560xf32, #tpu.memory_space<vmem>>[vector<16xi32>, vector<16xi32>], vector<16xf32>,
      }
      %scan3A_13 = arith.constant 32 : i32
      %mul3A_14 = arith.constant 80 : i32
      %mul3A_15 = arith.muli %mul3A_2, %mul3A_14 : i32
      "tpu.region"() ({
        %run_scoped3A = tpu.sem_alloc : memref<!tpu.dma_semaphore, #tpu.memory_space<semaphore_mem>>
        %dma_start3A = arith.constant 0 : i32
        %dma_start3A_16 = arith.constant 0 : i32
        %dma_start3A_17 = tpu.memref_slice %arg13[%dma_start3A, %dma_start3A_16] : memref<4x2560xf32, #tpu.memory_space<vmem>> -> memref<4x2560xf32, #tpu.memory_space<vmem>>
        %dma_start3A_18 = arith.constant 0 : i32
        %dma_start3A_19 = tpu.memref_slice %arg7[%dma_start3A_18, %mul3A_15] : memref<4x80000xf32, #tpu.memory_space<hbm>> -> memref<4x2560xf32, #tpu.memory_space<hbm>>
        %dma_start3A_20 = arith.constant 0 : i32
        %dma_start3A_21 = tpu.memref_slice %arg7[%dma_start3A_20, %mul3A_15] : memref<4x80000xf32, #tpu.memory_space<hbm>> -> memref<4x2560xf32, #tpu.memory_space<hbm>>
        %dma_start3A_22 = arith.constant 0 : i32
        %dma_start3A_23 = arith.constant 0 : i32
        %dma_start3A_24 = tpu.memref_slice %arg13[%dma_start3A_22, %dma_start3A_23] : memref<4x2560xf32, #tpu.memory_space<vmem>> -> memref<4x2560xf32, #tpu.memory_space<vmem>>
        tpu.enqueue_dma source(%dma_start3A_24 : memref<4x2560xf32, #tpu.memory_space<vmem>>) target(%dma_start3A_21 : memref<4x2560xf32, #tpu.memory_space<hbm>>) target_semaphore(%run_scoped3A : memref<!tpu.dma_semaphore, #tpu.memory_space<semaphore_mem>>)
        %dma_wait3A = arith.constant 0 : i32
        %dma_wait3A_25 = arith.constant 0 : i32
        %dma_wait3A_26 = tpu.memref_slice %arg13[%dma_wait3A, %dma_wait3A_25] : memref<4x2560xf32, #tpu.memory_space<vmem>> -> memref<4x2560xf32, #tpu.memory_space<vmem>>
        %dma_wait3A_27 = arith.constant 0 : i32
        %dma_wait3A_28 = tpu.memref_slice %arg7[%dma_wait3A_27, %mul3A_15] : memref<4x80000xf32, #tpu.memory_space<hbm>> -> memref<4x2560xf32, #tpu.memory_space<hbm>>
        %dma_wait3A_29 = arith.constant 0 : i32
        %dma_wait3A_30 = tpu.memref_slice %arg7[%dma_wait3A_29, %mul3A_15] : memref<4x80000xf32, #tpu.memory_space<hbm>> -> memref<4x2560xf32, #tpu.memory_space<hbm>>
        %dma_wait3A_31 = arith.constant 0 : i32
        %dma_wait3A_32 = arith.constant 0 : i32
        %dma_wait3A_33 = tpu.memref_slice %arg13[%dma_wait3A_31, %dma_wait3A_32] : memref<4x2560xf32, #tpu.memory_space<vmem>> -> memref<4x2560xf32, #tpu.memory_space<vmem>>
        tpu.wait_dma2 semaphore(%run_scoped3A : memref<!tpu.dma_semaphore, #tpu.memory_space<semaphore_mem>>) src(%dma_wait3A_33 : memref<4x2560xf32, #tpu.memory_space<vmem>>) dst(%dma_wait3A_30 : memref<4x2560xf32, #tpu.memory_space<hbm>>)
        tpu.yield
      }) : () -> ()
    } else {
    }
    %eq3A = arith.constant 31 : i32
    %eq3A_5 = arith.cmpi eq, %add3A, %eq3A : i32
    %convert_element_type3A_6 = arith.extui %eq3A_5 : i1 to i32
    %cond3A_7 = arith.constant 0 : i32
    %cond3A_8 = arith.cmpi ne, %convert_element_type3A_6, %cond3A_7 : i32
    scf.if %cond3A_8 {
      "tpu.region"() ({
        %run_scoped3A = tpu.sem_alloc : memref<!tpu.dma_semaphore, #tpu.memory_space<semaphore_mem>>
        %dma_start3A = arith.constant 0 : i32
        %dma_start3A_16 = arith.constant 0 : i32
        %dma_start3A_17 = tpu.memref_slice %arg8[%dma_start3A, %dma_start3A_16] : memref<32x784xf32, #tpu.memory_space<vmem>> -> memref<8x784xf32, #tpu.memory_space<vmem>>
        %dma_start3A_18 = arith.constant 0 : i32
        %dma_start3A_19 = tpu.memref_slice %arg3[%mul3A_2, %dma_start3A_18] : memref<1000x784xf32, #tpu.memory_space<hbm>> -> memref<8x784xf32, #tpu.memory_space<hbm>>
        %dma_start3A_20 = arith.constant 0 : i32
        %dma_start3A_21 = arith.constant 0 : i32
        %dma_start3A_22 = tpu.memref_slice %arg8[%dma_start3A_20, %dma_start3A_21] : memref<32x784xf32, #tpu.memory_space<vmem>> -> memref<8x784xf32, #tpu.memory_space<vmem>>
        %dma_start3A_23 = arith.constant 0 : i32
        %dma_start3A_24 = tpu.memref_slice %arg3[%mul3A_2, %dma_start3A_23] : memref<1000x784xf32, #tpu.memory_space<hbm>> -> memref<8x784xf32, #tpu.memory_space<hbm>>
        tpu.enqueue_dma source(%dma_start3A_24 : memref<8x784xf32, #tpu.memory_space<hbm>>) target(%dma_start3A_22 : memref<8x784xf32, #tpu.memory_space<vmem>>) target_semaphore(%run_scoped3A : memref<!tpu.dma_semaphore, #tpu.memory_space<semaphore_mem>>)
        %dma_wait3A = arith.constant 0 : i32
        %dma_wait3A_25 = arith.constant 0 : i32
        %dma_wait3A_26 = tpu.memref_slice %arg8[%dma_wait3A, %dma_wait3A_25] : memref<32x784xf32, #tpu.memory_space<vmem>> -> memref<8x784xf32, #tpu.memory_space<vmem>>
        %dma_wait3A_27 = arith.constant 0 : i32
        %dma_wait3A_28 = tpu.memref_slice %arg3[%mul3A_2, %dma_wait3A_27] : memref<1000x784xf32, #tpu.memory_space<hbm>> -> memref<8x784xf32, #tpu.memory_space<hbm>>
        %dma_wait3A_29 = arith.constant 0 : i32
        %dma_wait3A_30 = arith.constant 0 : i32
        %dma_wait3A_31 = tpu.memref_slice %arg8[%dma_wait3A_29, %dma_wait3A_30] : memref<32x784xf32, #tpu.memory_space<vmem>> -> memref<8x784xf32, #tpu.memory_space<vmem>>
        %dma_wait3A_32 = arith.constant 0 : i32
        %dma_wait3A_33 = tpu.memref_slice %arg3[%mul3A_2, %dma_wait3A_32] : memref<1000x784xf32, #tpu.memory_space<hbm>> -> memref<8x784xf32, #tpu.memory_space<hbm>>
        tpu.wait_dma2 semaphore(%run_scoped3A : memref<!tpu.dma_semaphore, #tpu.memory_space<semaphore_mem>>) src(%dma_wait3A_33 : memref<8x784xf32, #tpu.memory_space<hbm>>) dst(%dma_wait3A_31 : memref<8x784xf32, #tpu.memory_space<vmem>>)
        tpu.yield
      }) : () -> ()
      "tpu.region"() ({
        %run_scoped3A = tpu.sem_alloc : memref<!tpu.dma_semaphore, #tpu.memory_space<semaphore_mem>>
        %dma_start3A = arith.constant 0 : i32
        %dma_start3A_16 = arith.constant 0 : i32
        %dma_start3A_17 = tpu.memref_slice %arg9[%dma_start3A, %dma_start3A_16] : memref<32x80xi32, #tpu.memory_space<vmem>> -> memref<8x80xi32, #tpu.memory_space<vmem>>
        %dma_start3A_18 = arith.constant 0 : i32
        %dma_start3A_19 = tpu.memref_slice %arg2[%mul3A_2, %dma_start3A_18] : memref<1000x80xi32, #tpu.memory_space<hbm>> -> memref<8x80xi32, #tpu.memory_space<hbm>>
        %dma_start3A_20 = arith.constant 0 : i32
        %dma_start3A_21 = arith.constant 0 : i32
        %dma_start3A_22 = tpu.memref_slice %arg9[%dma_start3A_20, %dma_start3A_21] : memref<32x80xi32, #tpu.memory_space<vmem>> -> memref<8x80xi32, #tpu.memory_space<vmem>>
        %dma_start3A_23 = arith.constant 0 : i32
        %dma_start3A_24 = tpu.memref_slice %arg2[%mul3A_2, %dma_start3A_23] : memref<1000x80xi32, #tpu.memory_space<hbm>> -> memref<8x80xi32, #tpu.memory_space<hbm>>
        tpu.enqueue_dma source(%dma_start3A_24 : memref<8x80xi32, #tpu.memory_space<hbm>>) target(%dma_start3A_22 : memref<8x80xi32, #tpu.memory_space<vmem>>) target_semaphore(%run_scoped3A : memref<!tpu.dma_semaphore, #tpu.memory_space<semaphore_mem>>)
        %dma_wait3A = arith.constant 0 : i32
        %dma_wait3A_25 = arith.constant 0 : i32
        %dma_wait3A_26 = tpu.memref_slice %arg9[%dma_wait3A, %dma_wait3A_25] : memref<32x80xi32, #tpu.memory_space<vmem>> -> memref<8x80xi32, #tpu.memory_space<vmem>>
        %dma_wait3A_27 = arith.constant 0 : i32
        %dma_wait3A_28 = tpu.memref_slice %arg2[%mul3A_2, %dma_wait3A_27] : memref<1000x80xi32, #tpu.memory_space<hbm>> -> memref<8x80xi32, #tpu.memory_space<hbm>>
        %dma_wait3A_29 = arith.constant 0 : i32
        %dma_wait3A_30 = arith.constant 0 : i32
        %dma_wait3A_31 = tpu.memref_slice %arg9[%dma_wait3A_29, %dma_wait3A_30] : memref<32x80xi32, #tpu.memory_space<vmem>> -> memref<8x80xi32, #tpu.memory_space<vmem>>
        %dma_wait3A_32 = arith.constant 0 : i32
        %dma_wait3A_33 = tpu.memref_slice %arg2[%mul3A_2, %dma_wait3A_32] : memref<1000x80xi32, #tpu.memory_space<hbm>> -> memref<8x80xi32, #tpu.memory_space<hbm>>
        tpu.wait_dma2 semaphore(%run_scoped3A : memref<!tpu.dma_semaphore, #tpu.memory_space<semaphore_mem>>) src(%dma_wait3A_33 : memref<8x80xi32, #tpu.memory_space<hbm>>) dst(%dma_wait3A_31 : memref<8x80xi32, #tpu.memory_space<vmem>>)
        tpu.yield
      }) : () -> ()
      "tpu.region"() ({
        %run_scoped3A = tpu.sem_alloc : memref<!tpu.dma_semaphore, #tpu.memory_space<semaphore_mem>>
        %dma_start3A = arith.constant 0 : i32
        %dma_start3A_16 = arith.constant 0 : i32
        %dma_start3A_17 = tpu.memref_slice %arg12[%dma_start3A, %dma_start3A_16] : memref<32x16xf32, #tpu.memory_space<vmem>> -> memref<8x16xf32, #tpu.memory_space<vmem>>
        %dma_start3A_18 = arith.constant 0 : i32
        %dma_start3A_19 = tpu.memref_slice %arg4[%mul3A_2, %dma_start3A_18] : memref<1000x16xf32, #tpu.memory_space<hbm>> -> memref<8x16xf32, #tpu.memory_space<hbm>>
        %dma_start3A_20 = arith.constant 0 : i32
        %dma_start3A_21 = arith.constant 0 : i32
        %dma_start3A_22 = tpu.memref_slice %arg12[%dma_start3A_20, %dma_start3A_21] : memref<32x16xf32, #tpu.memory_space<vmem>> -> memref<8x16xf32, #tpu.memory_space<vmem>>
        %dma_start3A_23 = arith.constant 0 : i32
        %dma_start3A_24 = tpu.memref_slice %arg4[%mul3A_2, %dma_start3A_23] : memref<1000x16xf32, #tpu.memory_space<hbm>> -> memref<8x16xf32, #tpu.memory_space<hbm>>
        tpu.enqueue_dma source(%dma_start3A_24 : memref<8x16xf32, #tpu.memory_space<hbm>>) target(%dma_start3A_22 : memref<8x16xf32, #tpu.memory_space<vmem>>) target_semaphore(%run_scoped3A : memref<!tpu.dma_semaphore, #tpu.memory_space<semaphore_mem>>)
        %dma_wait3A = arith.constant 0 : i32
        %dma_wait3A_25 = arith.constant 0 : i32
        %dma_wait3A_26 = tpu.memref_slice %arg12[%dma_wait3A, %dma_wait3A_25] : memref<32x16xf32, #tpu.memory_space<vmem>> -> memref<8x16xf32, #tpu.memory_space<vmem>>
        %dma_wait3A_27 = arith.constant 0 : i32
        %dma_wait3A_28 = tpu.memref_slice %arg4[%mul3A_2, %dma_wait3A_27] : memref<1000x16xf32, #tpu.memory_space<hbm>> -> memref<8x16xf32, #tpu.memory_space<hbm>>
        %dma_wait3A_29 = arith.constant 0 : i32
        %dma_wait3A_30 = arith.constant 0 : i32
        %dma_wait3A_31 = tpu.memref_slice %arg12[%dma_wait3A_29, %dma_wait3A_30] : memref<32x16xf32, #tpu.memory_space<vmem>> -> memref<8x16xf32, #tpu.memory_space<vmem>>
        %dma_wait3A_32 = arith.constant 0 : i32
        %dma_wait3A_33 = tpu.memref_slice %arg4[%mul3A_2, %dma_wait3A_32] : memref<1000x16xf32, #tpu.memory_space<hbm>> -> memref<8x16xf32, #tpu.memory_space<hbm>>
        tpu.wait_dma2 semaphore(%run_scoped3A : memref<!tpu.dma_semaphore, #tpu.memory_space<semaphore_mem>>) src(%dma_wait3A_33 : memref<8x16xf32, #tpu.memory_space<hbm>>) dst(%dma_wait3A_31 : memref<8x16xf32, #tpu.memory_space<vmem>>)
        tpu.yield
      }) : () -> ()
      %scan3A = arith.constant 0 : i32
      %scan3A_9 = arith.constant 0 : i32
      %scan3A_10 = arith.constant 8 : i32
      %scan3A_11 = arith.addi %scan3A_9, %scan3A_10 : i32
      %scan3A_12 = arith.constant 1 : i32
      scf.for %scan3A_16 = %scan3A_9 to %scan3A_11 step %scan3A_12  : i32 {
        %get3A = arith.index_cast %scan3A_16 : i32 to index
        %get3A_17 = arith.constant 0 : index
        %get3A_18 = tpu.vector_load %arg12[%get3A, %get3A_17] {strides = array<i32>} : memref<32x16xf32, #tpu.memory_space<vmem>>, vector<16xf32>,
        %slice3A = vector.extract_strided_slice %get3A_18 {offsets = [0], sizes = [1], strides = [1]} : vector<16xf32> to vector<1xf32>
        %squeeze3A = vector.extract %slice3A[0] : f32 from vector<1xf32>
        %slice3A_19 = vector.extract_strided_slice %get3A_18 {offsets = [1], sizes = [1], strides = [1]} : vector<16xf32> to vector<1xf32>
        %squeeze3A_20 = vector.extract %slice3A_19[0] : f32 from vector<1xf32>
        %slice3A_21 = vector.extract_strided_slice %get3A_18 {offsets = [2], sizes = [1], strides = [1]} : vector<16xf32> to vector<1xf32>
        %squeeze3A_22 = vector.extract %slice3A_21[0] : f32 from vector<1xf32>
        %sub3A = arith.subf %squeeze3A_22, %squeeze3A : f32
        %mul3A_23 = arith.constant 0.0714285746 : f32
        %mul3A_24 = arith.mulf %sub3A, %mul3A_23 : f32
        %slice3A_25 = vector.extract_strided_slice %get3A_18 {offsets = [3], sizes = [1], strides = [1]} : vector<16xf32> to vector<1xf32>
        %squeeze3A_26 = vector.extract %slice3A_25[0] : f32 from vector<1xf32>
        %sub3A_27 = arith.subf %squeeze3A_26, %squeeze3A_20 : f32
        %mul3A_28 = arith.constant 0.0714285746 : f32
        %mul3A_29 = arith.mulf %sub3A_27, %mul3A_28 : f32
        %iota3A = tpu.iota {dimensions = array<i32: 0>} : vector<16xi32>
        %mul3A_30 = arith.constant 0 : i32
        %mul3A_31 = vector.broadcast %mul3A_30 : i32 to vector<16xi32>
        %mul3A_32 = arith.muli %iota3A, %mul3A_31 : vector<16xi32>
        %add3A_33 = vector.broadcast %scan3A_16 : i32 to vector<16xi32>
        %add3A_34 = arith.addi %mul3A_32, %add3A_33 : vector<16xi32>
        %get3A_35 = arith.index_cast %scan3A_16 : i32 to index
        %get3A_36 = arith.constant 0 : index
        %get3A_37 = tpu.vector_load %arg9[%get3A_35, %get3A_36] {strides = array<i32>} : memref<32x80xi32, #tpu.memory_space<vmem>>, vector<16xi32>,
        %gather3A = tpu.vector_load_idx %arg8[%add3A_34, %get3A_37] : memref<32x784xf32, #tpu.memory_space<vmem>>[vector<16xi32>, vector<16xi32>], vector<16xf32>,
        %add3A_38 = arith.constant 196 : i32
        %add3A_39 = vector.broadcast %add3A_38 : i32 to vector<16xi32>
        %add3A_40 = arith.addi %get3A_37, %add3A_39 : vector<16xi32>
        %gather3A_41 = tpu.vector_load_idx %arg8[%add3A_34, %add3A_40] : memref<32x784xf32, #tpu.memory_space<vmem>>[vector<16xi32>, vector<16xi32>], vector<16xf32>,
        %add3A_42 = arith.constant 392 : i32
        %add3A_43 = vector.broadcast %add3A_42 : i32 to vector<16xi32>
        %add3A_44 = arith.addi %get3A_37, %add3A_43 : vector<16xi32>
        %gather3A_45 = tpu.vector_load_idx %arg8[%add3A_34, %add3A_44] : memref<32x784xf32, #tpu.memory_space<vmem>>[vector<16xi32>, vector<16xi32>], vector<16xf32>,
        %add3A_46 = arith.constant 588 : i32
        %add3A_47 = vector.broadcast %add3A_46 : i32 to vector<16xi32>
        %add3A_48 = arith.addi %get3A_37, %add3A_47 : vector<16xi32>
        %gather3A_49 = tpu.vector_load_idx %arg8[%add3A_34, %add3A_48] : memref<32x784xf32, #tpu.memory_space<vmem>>[vector<16xi32>, vector<16xi32>], vector<16xf32>,
        %gather3A_50 = tpu.vector_load_idx %arg10[%get3A_37] : memref<196xf32, #tpu.memory_space<vmem>>[vector<16xi32>], vector<16xf32>,
        %gather3A_51 = tpu.vector_load_idx %arg11[%get3A_37] : memref<196xf32, #tpu.memory_space<vmem>>[vector<16xi32>], vector<16xf32>,
        %sub3A_52 = arith.subf %gather3A_50, %gather3A : vector<16xf32>
        %mul3A_53 = vector.broadcast %mul3A_24 : f32 to vector<16xf32>
        %mul3A_54 = arith.mulf %sub3A_52, %mul3A_53 : vector<16xf32>
        %add3A_55 = vector.broadcast %squeeze3A : f32 to vector<16xf32>
        %add3A_56 = arith.addf %mul3A_54, %add3A_55 : vector<16xf32>
        %max3A = arith.constant 0.000000e+00 : f32
        %max3A_57 = vector.broadcast %max3A : f32 to vector<16xf32>
        %max3A_58 = arith.maximumf %add3A_56, %max3A_57 : vector<16xf32>
        %min3A = arith.constant 1.023000e+03 : f32
        %min3A_59 = vector.broadcast %min3A : f32 to vector<16xf32>
        %min3A_60 = arith.minimumf %max3A_58, %min3A_59 : vector<16xf32>
        %sub3A_61 = arith.subf %gather3A_51, %gather3A_41 : vector<16xf32>
        %mul3A_62 = vector.broadcast %mul3A_29 : f32 to vector<16xf32>
        %mul3A_63 = arith.mulf %sub3A_61, %mul3A_62 : vector<16xf32>
        %add3A_64 = vector.broadcast %squeeze3A_20 : f32 to vector<16xf32>
        %add3A_65 = arith.addf %mul3A_63, %add3A_64 : vector<16xf32>
        %max3A_66 = arith.constant 0.000000e+00 : f32
        %max3A_67 = vector.broadcast %max3A_66 : f32 to vector<16xf32>
        %max3A_68 = arith.maximumf %add3A_65, %max3A_67 : vector<16xf32>
        %min3A_69 = arith.constant 1.023000e+03 : f32
        %min3A_70 = vector.broadcast %min3A_69 : f32 to vector<16xf32>
        %min3A_71 = arith.minimumf %max3A_68, %min3A_70 : vector<16xf32>
        %add3A_72 = arith.addf %gather3A_50, %gather3A_45 : vector<16xf32>
        %mul3A_73 = vector.broadcast %mul3A_24 : f32 to vector<16xf32>
        %mul3A_74 = arith.mulf %add3A_72, %mul3A_73 : vector<16xf32>
        %add3A_75 = vector.broadcast %squeeze3A : f32 to vector<16xf32>
        %add3A_76 = arith.addf %mul3A_74, %add3A_75 : vector<16xf32>
        %max3A_77 = arith.constant 0.000000e+00 : f32
        %max3A_78 = vector.broadcast %max3A_77 : f32 to vector<16xf32>
        %max3A_79 = arith.maximumf %add3A_76, %max3A_78 : vector<16xf32>
        %min3A_80 = arith.constant 1.023000e+03 : f32
        %min3A_81 = vector.broadcast %min3A_80 : f32 to vector<16xf32>
        %min3A_82 = arith.minimumf %max3A_79, %min3A_81 : vector<16xf32>
        %add3A_83 = arith.addf %gather3A_51, %gather3A_49 : vector<16xf32>
        %mul3A_84 = vector.broadcast %mul3A_29 : f32 to vector<16xf32>
        %mul3A_85 = arith.mulf %add3A_83, %mul3A_84 : vector<16xf32>
        %add3A_86 = vector.broadcast %squeeze3A_20 : f32 to vector<16xf32>
        %add3A_87 = arith.addf %mul3A_85, %add3A_86 : vector<16xf32>
        %max3A_88 = arith.constant 0.000000e+00 : f32
        %max3A_89 = vector.broadcast %max3A_88 : f32 to vector<16xf32>
        %max3A_90 = arith.maximumf %add3A_87, %max3A_89 : vector<16xf32>
        %min3A_91 = arith.constant 1.023000e+03 : f32
        %min3A_92 = vector.broadcast %min3A_91 : f32 to vector<16xf32>
        %min3A_93 = arith.minimumf %max3A_90, %min3A_92 : vector<16xf32>
        %mul3A_94 = arith.constant 80 : i32
        %mul3A_95 = arith.muli %scan3A_16, %mul3A_94 : i32
        %add3A_96 = arith.constant 0 : i32
        %add3A_97 = arith.addi %mul3A_95, %add3A_96 : i32
        %add3A_98 = vector.broadcast %add3A_97 : i32 to vector<16xi32>
        %add3A_99 = arith.addi %add3A_98, %iota3A : vector<16xi32>
        %mul3A_100 = arith.constant 0 : i32
        %mul3A_101 = vector.broadcast %mul3A_100 : i32 to vector<16xi32>
        %mul3A_102 = arith.muli %add3A_34, %mul3A_101 : vector<16xi32>
        tpu.vector_store_idx %arg13[%mul3A_102, %add3A_99], %min3A_60 : memref<4x2560xf32, #tpu.memory_space<vmem>>[vector<16xi32>, vector<16xi32>], vector<16xf32>,
        %mul3A_103 = arith.constant 0 : i32
        %mul3A_104 = vector.broadcast %mul3A_103 : i32 to vector<16xi32>
        %mul3A_105 = arith.muli %add3A_34, %mul3A_104 : vector<16xi32>
        %add3A_106 = arith.constant 1 : i32
        %add3A_107 = vector.broadcast %add3A_106 : i32 to vector<16xi32>
        %add3A_108 = arith.addi %mul3A_105, %add3A_107 : vector<16xi32>
        tpu.vector_store_idx %arg13[%add3A_108, %add3A_99], %min3A_71 : memref<4x2560xf32, #tpu.memory_space<vmem>>[vector<16xi32>, vector<16xi32>], vector<16xf32>,
        %mul3A_109 = arith.constant 0 : i32
        %mul3A_110 = vector.broadcast %mul3A_109 : i32 to vector<16xi32>
        %mul3A_111 = arith.muli %add3A_34, %mul3A_110 : vector<16xi32>
        %add3A_112 = arith.constant 2 : i32
        %add3A_113 = vector.broadcast %add3A_112 : i32 to vector<16xi32>
        %add3A_114 = arith.addi %mul3A_111, %add3A_113 : vector<16xi32>
        tpu.vector_store_idx %arg13[%add3A_114, %add3A_99], %min3A_82 : memref<4x2560xf32, #tpu.memory_space<vmem>>[vector<16xi32>, vector<16xi32>], vector<16xf32>,
        %mul3A_115 = arith.constant 0 : i32
        %mul3A_116 = vector.broadcast %mul3A_115 : i32 to vector<16xi32>
        %mul3A_117 = arith.muli %add3A_34, %mul3A_116 : vector<16xi32>
        %add3A_118 = arith.constant 3 : i32
        %add3A_119 = vector.broadcast %add3A_118 : i32 to vector<16xi32>
        %add3A_120 = arith.addi %mul3A_117, %add3A_119 : vector<16xi32>
        tpu.vector_store_idx %arg13[%add3A_120, %add3A_99], %min3A_93 : memref<4x2560xf32, #tpu.memory_space<vmem>>[vector<16xi32>, vector<16xi32>], vector<16xf32>,
        %get3A_121 = arith.index_cast %scan3A_16 : i32 to index
        %get3A_122 = arith.constant 16 : index
        %get3A_123 = tpu.vector_load %arg9[%get3A_121, %get3A_122] {strides = array<i32>} : memref<32x80xi32, #tpu.memory_space<vmem>>, vector<16xi32>,
        %gather3A_124 = tpu.vector_load_idx %arg8[%add3A_34, %get3A_123] : memref<32x784xf32, #tpu.memory_space<vmem>>[vector<16xi32>, vector<16xi32>], vector<16xf32>,
        %add3A_125 = arith.constant 196 : i32
        %add3A_126 = vector.broadcast %add3A_125 : i32 to vector<16xi32>
        %add3A_127 = arith.addi %get3A_123, %add3A_126 : vector<16xi32>
        %gather3A_128 = tpu.vector_load_idx %arg8[%add3A_34, %add3A_127] : memref<32x784xf32, #tpu.memory_space<vmem>>[vector<16xi32>, vector<16xi32>], vector<16xf32>,
        %add3A_129 = arith.constant 392 : i32
        %add3A_130 = vector.broadcast %add3A_129 : i32 to vector<16xi32>
        %add3A_131 = arith.addi %get3A_123, %add3A_130 : vector<16xi32>
        %gather3A_132 = tpu.vector_load_idx %arg8[%add3A_34, %add3A_131] : memref<32x784xf32, #tpu.memory_space<vmem>>[vector<16xi32>, vector<16xi32>], vector<16xf32>,
        %add3A_133 = arith.constant 588 : i32
        %add3A_134 = vector.broadcast %add3A_133 : i32 to vector<16xi32>
        %add3A_135 = arith.addi %get3A_123, %add3A_134 : vector<16xi32>
        %gather3A_136 = tpu.vector_load_idx %arg8[%add3A_34, %add3A_135] : memref<32x784xf32, #tpu.memory_space<vmem>>[vector<16xi32>, vector<16xi32>], vector<16xf32>,
        %gather3A_137 = tpu.vector_load_idx %arg10[%get3A_123] : memref<196xf32, #tpu.memory_space<vmem>>[vector<16xi32>], vector<16xf32>,
        %gather3A_138 = tpu.vector_load_idx %arg11[%get3A_123] : memref<196xf32, #tpu.memory_space<vmem>>[vector<16xi32>], vector<16xf32>,
        %sub3A_139 = arith.subf %gather3A_137, %gather3A_124 : vector<16xf32>
        %mul3A_140 = vector.broadcast %mul3A_24 : f32 to vector<16xf32>
        %mul3A_141 = arith.mulf %sub3A_139, %mul3A_140 : vector<16xf32>
        %add3A_142 = vector.broadcast %squeeze3A : f32 to vector<16xf32>
        %add3A_143 = arith.addf %mul3A_141, %add3A_142 : vector<16xf32>
        %max3A_144 = arith.constant 0.000000e+00 : f32
        %max3A_145 = vector.broadcast %max3A_144 : f32 to vector<16xf32>
        %max3A_146 = arith.maximumf %add3A_143, %max3A_145 : vector<16xf32>
        %min3A_147 = arith.constant 1.023000e+03 : f32
        %min3A_148 = vector.broadcast %min3A_147 : f32 to vector<16xf32>
        %min3A_149 = arith.minimumf %max3A_146, %min3A_148 : vector<16xf32>
        %sub3A_150 = arith.subf %gather3A_138, %gather3A_128 : vector<16xf32>
        %mul3A_151 = vector.broadcast %mul3A_29 : f32 to vector<16xf32>
        %mul3A_152 = arith.mulf %sub3A_150, %mul3A_151 : vector<16xf32>
        %add3A_153 = vector.broadcast %squeeze3A_20 : f32 to vector<16xf32>
        %add3A_154 = arith.addf %mul3A_152, %add3A_153 : vector<16xf32>
        %max3A_155 = arith.constant 0.000000e+00 : f32
        %max3A_156 = vector.broadcast %max3A_155 : f32 to vector<16xf32>
        %max3A_157 = arith.maximumf %add3A_154, %max3A_156 : vector<16xf32>
        %min3A_158 = arith.constant 1.023000e+03 : f32
        %min3A_159 = vector.broadcast %min3A_158 : f32 to vector<16xf32>
        %min3A_160 = arith.minimumf %max3A_157, %min3A_159 : vector<16xf32>
        %add3A_161 = arith.addf %gather3A_137, %gather3A_132 : vector<16xf32>
        %mul3A_162 = vector.broadcast %mul3A_24 : f32 to vector<16xf32>
        %mul3A_163 = arith.mulf %add3A_161, %mul3A_162 : vector<16xf32>
        %add3A_164 = vector.broadcast %squeeze3A : f32 to vector<16xf32>
        %add3A_165 = arith.addf %mul3A_163, %add3A_164 : vector<16xf32>
        %max3A_166 = arith.constant 0.000000e+00 : f32
        %max3A_167 = vector.broadcast %max3A_166 : f32 to vector<16xf32>
        %max3A_168 = arith.maximumf %add3A_165, %max3A_167 : vector<16xf32>
        %min3A_169 = arith.constant 1.023000e+03 : f32
        %min3A_170 = vector.broadcast %min3A_169 : f32 to vector<16xf32>
        %min3A_171 = arith.minimumf %max3A_168, %min3A_170 : vector<16xf32>
        %add3A_172 = arith.addf %gather3A_138, %gather3A_136 : vector<16xf32>
        %mul3A_173 = vector.broadcast %mul3A_29 : f32 to vector<16xf32>
        %mul3A_174 = arith.mulf %add3A_172, %mul3A_173 : vector<16xf32>
        %add3A_175 = vector.broadcast %squeeze3A_20 : f32 to vector<16xf32>
        %add3A_176 = arith.addf %mul3A_174, %add3A_175 : vector<16xf32>
        %max3A_177 = arith.constant 0.000000e+00 : f32
        %max3A_178 = vector.broadcast %max3A_177 : f32 to vector<16xf32>
        %max3A_179 = arith.maximumf %add3A_176, %max3A_178 : vector<16xf32>
        %min3A_180 = arith.constant 1.023000e+03 : f32
        %min3A_181 = vector.broadcast %min3A_180 : f32 to vector<16xf32>
        %min3A_182 = arith.minimumf %max3A_179, %min3A_181 : vector<16xf32>
        %mul3A_183 = arith.constant 80 : i32
        %mul3A_184 = arith.muli %scan3A_16, %mul3A_183 : i32
        %add3A_185 = arith.constant 16 : i32
        %add3A_186 = arith.addi %mul3A_184, %add3A_185 : i32
        %add3A_187 = vector.broadcast %add3A_186 : i32 to vector<16xi32>
        %add3A_188 = arith.addi %add3A_187, %iota3A : vector<16xi32>
        %mul3A_189 = arith.constant 0 : i32
        %mul3A_190 = vector.broadcast %mul3A_189 : i32 to vector<16xi32>
        %mul3A_191 = arith.muli %add3A_34, %mul3A_190 : vector<16xi32>
        tpu.vector_store_idx %arg13[%mul3A_191, %add3A_188], %min3A_149 : memref<4x2560xf32, #tpu.memory_space<vmem>>[vector<16xi32>, vector<16xi32>], vector<16xf32>,
        %mul3A_192 = arith.constant 0 : i32
        %mul3A_193 = vector.broadcast %mul3A_192 : i32 to vector<16xi32>
        %mul3A_194 = arith.muli %add3A_34, %mul3A_193 : vector<16xi32>
        %add3A_195 = arith.constant 1 : i32
        %add3A_196 = vector.broadcast %add3A_195 : i32 to vector<16xi32>
        %add3A_197 = arith.addi %mul3A_194, %add3A_196 : vector<16xi32>
        tpu.vector_store_idx %arg13[%add3A_197, %add3A_188], %min3A_160 : memref<4x2560xf32, #tpu.memory_space<vmem>>[vector<16xi32>, vector<16xi32>], vector<16xf32>,
        %mul3A_198 = arith.constant 0 : i32
        %mul3A_199 = vector.broadcast %mul3A_198 : i32 to vector<16xi32>
        %mul3A_200 = arith.muli %add3A_34, %mul3A_199 : vector<16xi32>
        %add3A_201 = arith.constant 2 : i32
        %add3A_202 = vector.broadcast %add3A_201 : i32 to vector<16xi32>
        %add3A_203 = arith.addi %mul3A_200, %add3A_202 : vector<16xi32>
        tpu.vector_store_idx %arg13[%add3A_203, %add3A_188], %min3A_171 : memref<4x2560xf32, #tpu.memory_space<vmem>>[vector<16xi32>, vector<16xi32>], vector<16xf32>,
        %mul3A_204 = arith.constant 0 : i32
        %mul3A_205 = vector.broadcast %mul3A_204 : i32 to vector<16xi32>
        %mul3A_206 = arith.muli %add3A_34, %mul3A_205 : vector<16xi32>
        %add3A_207 = arith.constant 3 : i32
        %add3A_208 = vector.broadcast %add3A_207 : i32 to vector<16xi32>
        %add3A_209 = arith.addi %mul3A_206, %add3A_208 : vector<16xi32>
        tpu.vector_store_idx %arg13[%add3A_209, %add3A_188], %min3A_182 : memref<4x2560xf32, #tpu.memory_space<vmem>>[vector<16xi32>, vector<16xi32>], vector<16xf32>,
        %get3A_210 = arith.index_cast %scan3A_16 : i32 to index
        %get3A_211 = arith.constant 32 : index
        %get3A_212 = tpu.vector_load %arg9[%get3A_210, %get3A_211] {strides = array<i32>} : memref<32x80xi32, #tpu.memory_space<vmem>>, vector<16xi32>,
        %gather3A_213 = tpu.vector_load_idx %arg8[%add3A_34, %get3A_212] : memref<32x784xf32, #tpu.memory_space<vmem>>[vector<16xi32>, vector<16xi32>], vector<16xf32>,
        %add3A_214 = arith.constant 196 : i32
        %add3A_215 = vector.broadcast %add3A_214 : i32 to vector<16xi32>
        %add3A_216 = arith.addi %get3A_212, %add3A_215 : vector<16xi32>
        %gather3A_217 = tpu.vector_load_idx %arg8[%add3A_34, %add3A_216] : memref<32x784xf32, #tpu.memory_space<vmem>>[vector<16xi32>, vector<16xi32>], vector<16xf32>,
        %add3A_218 = arith.constant 392 : i32
        %add3A_219 = vector.broadcast %add3A_218 : i32 to vector<16xi32>
        %add3A_220 = arith.addi %get3A_212, %add3A_219 : vector<16xi32>
        %gather3A_221 = tpu.vector_load_idx %arg8[%add3A_34, %add3A_220] : memref<32x784xf32, #tpu.memory_space<vmem>>[vector<16xi32>, vector<16xi32>], vector<16xf32>,
        %add3A_222 = arith.constant 588 : i32
        %add3A_223 = vector.broadcast %add3A_222 : i32 to vector<16xi32>
        %add3A_224 = arith.addi %get3A_212, %add3A_223 : vector<16xi32>
        %gather3A_225 = tpu.vector_load_idx %arg8[%add3A_34, %add3A_224] : memref<32x784xf32, #tpu.memory_space<vmem>>[vector<16xi32>, vector<16xi32>], vector<16xf32>,
        %gather3A_226 = tpu.vector_load_idx %arg10[%get3A_212] : memref<196xf32, #tpu.memory_space<vmem>>[vector<16xi32>], vector<16xf32>,
        %gather3A_227 = tpu.vector_load_idx %arg11[%get3A_212] : memref<196xf32, #tpu.memory_space<vmem>>[vector<16xi32>], vector<16xf32>,
        %sub3A_228 = arith.subf %gather3A_226, %gather3A_213 : vector<16xf32>
        %mul3A_229 = vector.broadcast %mul3A_24 : f32 to vector<16xf32>
        %mul3A_230 = arith.mulf %sub3A_228, %mul3A_229 : vector<16xf32>
        %add3A_231 = vector.broadcast %squeeze3A : f32 to vector<16xf32>
        %add3A_232 = arith.addf %mul3A_230, %add3A_231 : vector<16xf32>
        %max3A_233 = arith.constant 0.000000e+00 : f32
        %max3A_234 = vector.broadcast %max3A_233 : f32 to vector<16xf32>
        %max3A_235 = arith.maximumf %add3A_232, %max3A_234 : vector<16xf32>
        %min3A_236 = arith.constant 1.023000e+03 : f32
        %min3A_237 = vector.broadcast %min3A_236 : f32 to vector<16xf32>
        %min3A_238 = arith.minimumf %max3A_235, %min3A_237 : vector<16xf32>
        %sub3A_239 = arith.subf %gather3A_227, %gather3A_217 : vector<16xf32>
        %mul3A_240 = vector.broadcast %mul3A_29 : f32 to vector<16xf32>
        %mul3A_241 = arith.mulf %sub3A_239, %mul3A_240 : vector<16xf32>
        %add3A_242 = vector.broadcast %squeeze3A_20 : f32 to vector<16xf32>
        %add3A_243 = arith.addf %mul3A_241, %add3A_242 : vector<16xf32>
        %max3A_244 = arith.constant 0.000000e+00 : f32
        %max3A_245 = vector.broadcast %max3A_244 : f32 to vector<16xf32>
        %max3A_246 = arith.maximumf %add3A_243, %max3A_245 : vector<16xf32>
        %min3A_247 = arith.constant 1.023000e+03 : f32
        %min3A_248 = vector.broadcast %min3A_247 : f32 to vector<16xf32>
        %min3A_249 = arith.minimumf %max3A_246, %min3A_248 : vector<16xf32>
        %add3A_250 = arith.addf %gather3A_226, %gather3A_221 : vector<16xf32>
        %mul3A_251 = vector.broadcast %mul3A_24 : f32 to vector<16xf32>
        %mul3A_252 = arith.mulf %add3A_250, %mul3A_251 : vector<16xf32>
        %add3A_253 = vector.broadcast %squeeze3A : f32 to vector<16xf32>
        %add3A_254 = arith.addf %mul3A_252, %add3A_253 : vector<16xf32>
        %max3A_255 = arith.constant 0.000000e+00 : f32
        %max3A_256 = vector.broadcast %max3A_255 : f32 to vector<16xf32>
        %max3A_257 = arith.maximumf %add3A_254, %max3A_256 : vector<16xf32>
        %min3A_258 = arith.constant 1.023000e+03 : f32
        %min3A_259 = vector.broadcast %min3A_258 : f32 to vector<16xf32>
        %min3A_260 = arith.minimumf %max3A_257, %min3A_259 : vector<16xf32>
        %add3A_261 = arith.addf %gather3A_227, %gather3A_225 : vector<16xf32>
        %mul3A_262 = vector.broadcast %mul3A_29 : f32 to vector<16xf32>
        %mul3A_263 = arith.mulf %add3A_261, %mul3A_262 : vector<16xf32>
        %add3A_264 = vector.broadcast %squeeze3A_20 : f32 to vector<16xf32>
        %add3A_265 = arith.addf %mul3A_263, %add3A_264 : vector<16xf32>
        %max3A_266 = arith.constant 0.000000e+00 : f32
        %max3A_267 = vector.broadcast %max3A_266 : f32 to vector<16xf32>
        %max3A_268 = arith.maximumf %add3A_265, %max3A_267 : vector<16xf32>
        %min3A_269 = arith.constant 1.023000e+03 : f32
        %min3A_270 = vector.broadcast %min3A_269 : f32 to vector<16xf32>
        %min3A_271 = arith.minimumf %max3A_268, %min3A_270 : vector<16xf32>
        %mul3A_272 = arith.constant 80 : i32
        %mul3A_273 = arith.muli %scan3A_16, %mul3A_272 : i32
        %add3A_274 = arith.constant 32 : i32
        %add3A_275 = arith.addi %mul3A_273, %add3A_274 : i32
        %add3A_276 = vector.broadcast %add3A_275 : i32 to vector<16xi32>
        %add3A_277 = arith.addi %add3A_276, %iota3A : vector<16xi32>
        %mul3A_278 = arith.constant 0 : i32
        %mul3A_279 = vector.broadcast %mul3A_278 : i32 to vector<16xi32>
        %mul3A_280 = arith.muli %add3A_34, %mul3A_279 : vector<16xi32>
        tpu.vector_store_idx %arg13[%mul3A_280, %add3A_277], %min3A_238 : memref<4x2560xf32, #tpu.memory_space<vmem>>[vector<16xi32>, vector<16xi32>], vector<16xf32>,
        %mul3A_281 = arith.constant 0 : i32
        %mul3A_282 = vector.broadcast %mul3A_281 : i32 to vector<16xi32>
        %mul3A_283 = arith.muli %add3A_34, %mul3A_282 : vector<16xi32>
        %add3A_284 = arith.constant 1 : i32
        %add3A_285 = vector.broadcast %add3A_284 : i32 to vector<16xi32>
        %add3A_286 = arith.addi %mul3A_283, %add3A_285 : vector<16xi32>
        tpu.vector_store_idx %arg13[%add3A_286, %add3A_277], %min3A_249 : memref<4x2560xf32, #tpu.memory_space<vmem>>[vector<16xi32>, vector<16xi32>], vector<16xf32>,
        %mul3A_287 = arith.constant 0 : i32
        %mul3A_288 = vector.broadcast %mul3A_287 : i32 to vector<16xi32>
        %mul3A_289 = arith.muli %add3A_34, %mul3A_288 : vector<16xi32>
        %add3A_290 = arith.constant 2 : i32
        %add3A_291 = vector.broadcast %add3A_290 : i32 to vector<16xi32>
        %add3A_292 = arith.addi %mul3A_289, %add3A_291 : vector<16xi32>
        tpu.vector_store_idx %arg13[%add3A_292, %add3A_277], %min3A_260 : memref<4x2560xf32, #tpu.memory_space<vmem>>[vector<16xi32>, vector<16xi32>], vector<16xf32>,
        %mul3A_293 = arith.constant 0 : i32
        %mul3A_294 = vector.broadcast %mul3A_293 : i32 to vector<16xi32>
        %mul3A_295 = arith.muli %add3A_34, %mul3A_294 : vector<16xi32>
        %add3A_296 = arith.constant 3 : i32
        %add3A_297 = vector.broadcast %add3A_296 : i32 to vector<16xi32>
        %add3A_298 = arith.addi %mul3A_295, %add3A_297 : vector<16xi32>
        tpu.vector_store_idx %arg13[%add3A_298, %add3A_277], %min3A_271 : memref<4x2560xf32, #tpu.memory_space<vmem>>[vector<16xi32>, vector<16xi32>], vector<16xf32>,
        %get3A_299 = arith.index_cast %scan3A_16 : i32 to index
        %get3A_300 = arith.constant 48 : index
        %get3A_301 = tpu.vector_load %arg9[%get3A_299, %get3A_300] {strides = array<i32>} : memref<32x80xi32, #tpu.memory_space<vmem>>, vector<16xi32>,
        %gather3A_302 = tpu.vector_load_idx %arg8[%add3A_34, %get3A_301] : memref<32x784xf32, #tpu.memory_space<vmem>>[vector<16xi32>, vector<16xi32>], vector<16xf32>,
        %add3A_303 = arith.constant 196 : i32
        %add3A_304 = vector.broadcast %add3A_303 : i32 to vector<16xi32>
        %add3A_305 = arith.addi %get3A_301, %add3A_304 : vector<16xi32>
        %gather3A_306 = tpu.vector_load_idx %arg8[%add3A_34, %add3A_305] : memref<32x784xf32, #tpu.memory_space<vmem>>[vector<16xi32>, vector<16xi32>], vector<16xf32>,
        %add3A_307 = arith.constant 392 : i32
        %add3A_308 = vector.broadcast %add3A_307 : i32 to vector<16xi32>
        %add3A_309 = arith.addi %get3A_301, %add3A_308 : vector<16xi32>
        %gather3A_310 = tpu.vector_load_idx %arg8[%add3A_34, %add3A_309] : memref<32x784xf32, #tpu.memory_space<vmem>>[vector<16xi32>, vector<16xi32>], vector<16xf32>,
        %add3A_311 = arith.constant 588 : i32
        %add3A_312 = vector.broadcast %add3A_311 : i32 to vector<16xi32>
        %add3A_313 = arith.addi %get3A_301, %add3A_312 : vector<16xi32>
        %gather3A_314 = tpu.vector_load_idx %arg8[%add3A_34, %add3A_313] : memref<32x784xf32, #tpu.memory_space<vmem>>[vector<16xi32>, vector<16xi32>], vector<16xf32>,
        %gather3A_315 = tpu.vector_load_idx %arg10[%get3A_301] : memref<196xf32, #tpu.memory_space<vmem>>[vector<16xi32>], vector<16xf32>,
        %gather3A_316 = tpu.vector_load_idx %arg11[%get3A_301] : memref<196xf32, #tpu.memory_space<vmem>>[vector<16xi32>], vector<16xf32>,
        %sub3A_317 = arith.subf %gather3A_315, %gather3A_302 : vector<16xf32>
        %mul3A_318 = vector.broadcast %mul3A_24 : f32 to vector<16xf32>
        %mul3A_319 = arith.mulf %sub3A_317, %mul3A_318 : vector<16xf32>
        %add3A_320 = vector.broadcast %squeeze3A : f32 to vector<16xf32>
        %add3A_321 = arith.addf %mul3A_319, %add3A_320 : vector<16xf32>
        %max3A_322 = arith.constant 0.000000e+00 : f32
        %max3A_323 = vector.broadcast %max3A_322 : f32 to vector<16xf32>
        %max3A_324 = arith.maximumf %add3A_321, %max3A_323 : vector<16xf32>
        %min3A_325 = arith.constant 1.023000e+03 : f32
        %min3A_326 = vector.broadcast %min3A_325 : f32 to vector<16xf32>
        %min3A_327 = arith.minimumf %max3A_324, %min3A_326 : vector<16xf32>
        %sub3A_328 = arith.subf %gather3A_316, %gather3A_306 : vector<16xf32>
        %mul3A_329 = vector.broadcast %mul3A_29 : f32 to vector<16xf32>
        %mul3A_330 = arith.mulf %sub3A_328, %mul3A_329 : vector<16xf32>
        %add3A_331 = vector.broadcast %squeeze3A_20 : f32 to vector<16xf32>
        %add3A_332 = arith.addf %mul3A_330, %add3A_331 : vector<16xf32>
        %max3A_333 = arith.constant 0.000000e+00 : f32
        %max3A_334 = vector.broadcast %max3A_333 : f32 to vector<16xf32>
        %max3A_335 = arith.maximumf %add3A_332, %max3A_334 : vector<16xf32>
        %min3A_336 = arith.constant 1.023000e+03 : f32
        %min3A_337 = vector.broadcast %min3A_336 : f32 to vector<16xf32>
        %min3A_338 = arith.minimumf %max3A_335, %min3A_337 : vector<16xf32>
        %add3A_339 = arith.addf %gather3A_315, %gather3A_310 : vector<16xf32>
        %mul3A_340 = vector.broadcast %mul3A_24 : f32 to vector<16xf32>
        %mul3A_341 = arith.mulf %add3A_339, %mul3A_340 : vector<16xf32>
        %add3A_342 = vector.broadcast %squeeze3A : f32 to vector<16xf32>
        %add3A_343 = arith.addf %mul3A_341, %add3A_342 : vector<16xf32>
        %max3A_344 = arith.constant 0.000000e+00 : f32
        %max3A_345 = vector.broadcast %max3A_344 : f32 to vector<16xf32>
        %max3A_346 = arith.maximumf %add3A_343, %max3A_345 : vector<16xf32>
        %min3A_347 = arith.constant 1.023000e+03 : f32
        %min3A_348 = vector.broadcast %min3A_347 : f32 to vector<16xf32>
        %min3A_349 = arith.minimumf %max3A_346, %min3A_348 : vector<16xf32>
        %add3A_350 = arith.addf %gather3A_316, %gather3A_314 : vector<16xf32>
        %mul3A_351 = vector.broadcast %mul3A_29 : f32 to vector<16xf32>
        %mul3A_352 = arith.mulf %add3A_350, %mul3A_351 : vector<16xf32>
        %add3A_353 = vector.broadcast %squeeze3A_20 : f32 to vector<16xf32>
        %add3A_354 = arith.addf %mul3A_352, %add3A_353 : vector<16xf32>
        %max3A_355 = arith.constant 0.000000e+00 : f32
        %max3A_356 = vector.broadcast %max3A_355 : f32 to vector<16xf32>
        %max3A_357 = arith.maximumf %add3A_354, %max3A_356 : vector<16xf32>
        %min3A_358 = arith.constant 1.023000e+03 : f32
        %min3A_359 = vector.broadcast %min3A_358 : f32 to vector<16xf32>
        %min3A_360 = arith.minimumf %max3A_357, %min3A_359 : vector<16xf32>
        %mul3A_361 = arith.constant 80 : i32
        %mul3A_362 = arith.muli %scan3A_16, %mul3A_361 : i32
        %add3A_363 = arith.constant 48 : i32
        %add3A_364 = arith.addi %mul3A_362, %add3A_363 : i32
        %add3A_365 = vector.broadcast %add3A_364 : i32 to vector<16xi32>
        %add3A_366 = arith.addi %add3A_365, %iota3A : vector<16xi32>
        %mul3A_367 = arith.constant 0 : i32
        %mul3A_368 = vector.broadcast %mul3A_367 : i32 to vector<16xi32>
        %mul3A_369 = arith.muli %add3A_34, %mul3A_368 : vector<16xi32>
        tpu.vector_store_idx %arg13[%mul3A_369, %add3A_366], %min3A_327 : memref<4x2560xf32, #tpu.memory_space<vmem>>[vector<16xi32>, vector<16xi32>], vector<16xf32>,
        %mul3A_370 = arith.constant 0 : i32
        %mul3A_371 = vector.broadcast %mul3A_370 : i32 to vector<16xi32>
        %mul3A_372 = arith.muli %add3A_34, %mul3A_371 : vector<16xi32>
        %add3A_373 = arith.constant 1 : i32
        %add3A_374 = vector.broadcast %add3A_373 : i32 to vector<16xi32>
        %add3A_375 = arith.addi %mul3A_372, %add3A_374 : vector<16xi32>
        tpu.vector_store_idx %arg13[%add3A_375, %add3A_366], %min3A_338 : memref<4x2560xf32, #tpu.memory_space<vmem>>[vector<16xi32>, vector<16xi32>], vector<16xf32>,
        %mul3A_376 = arith.constant 0 : i32
        %mul3A_377 = vector.broadcast %mul3A_376 : i32 to vector<16xi32>
        %mul3A_378 = arith.muli %add3A_34, %mul3A_377 : vector<16xi32>
        %add3A_379 = arith.constant 2 : i32
        %add3A_380 = vector.broadcast %add3A_379 : i32 to vector<16xi32>
        %add3A_381 = arith.addi %mul3A_378, %add3A_380 : vector<16xi32>
        tpu.vector_store_idx %arg13[%add3A_381, %add3A_366], %min3A_349 : memref<4x2560xf32, #tpu.memory_space<vmem>>[vector<16xi32>, vector<16xi32>], vector<16xf32>,
        %mul3A_382 = arith.constant 0 : i32
        %mul3A_383 = vector.broadcast %mul3A_382 : i32 to vector<16xi32>
        %mul3A_384 = arith.muli %add3A_34, %mul3A_383 : vector<16xi32>
        %add3A_385 = arith.constant 3 : i32
        %add3A_386 = vector.broadcast %add3A_385 : i32 to vector<16xi32>
        %add3A_387 = arith.addi %mul3A_384, %add3A_386 : vector<16xi32>
        tpu.vector_store_idx %arg13[%add3A_387, %add3A_366], %min3A_360 : memref<4x2560xf32, #tpu.memory_space<vmem>>[vector<16xi32>, vector<16xi32>], vector<16xf32>,
        %get3A_388 = arith.index_cast %scan3A_16 : i32 to index
        %get3A_389 = arith.constant 64 : index
        %get3A_390 = tpu.vector_load %arg9[%get3A_388, %get3A_389] {strides = array<i32>} : memref<32x80xi32, #tpu.memory_space<vmem>>, vector<16xi32>,
        %gather3A_391 = tpu.vector_load_idx %arg8[%add3A_34, %get3A_390] : memref<32x784xf32, #tpu.memory_space<vmem>>[vector<16xi32>, vector<16xi32>], vector<16xf32>,
        %add3A_392 = arith.constant 196 : i32
        %add3A_393 = vector.broadcast %add3A_392 : i32 to vector<16xi32>
        %add3A_394 = arith.addi %get3A_390, %add3A_393 : vector<16xi32>
        %gather3A_395 = tpu.vector_load_idx %arg8[%add3A_34, %add3A_394] : memref<32x784xf32, #tpu.memory_space<vmem>>[vector<16xi32>, vector<16xi32>], vector<16xf32>,
        %add3A_396 = arith.constant 392 : i32
        %add3A_397 = vector.broadcast %add3A_396 : i32 to vector<16xi32>
        %add3A_398 = arith.addi %get3A_390, %add3A_397 : vector<16xi32>
        %gather3A_399 = tpu.vector_load_idx %arg8[%add3A_34, %add3A_398] : memref<32x784xf32, #tpu.memory_space<vmem>>[vector<16xi32>, vector<16xi32>], vector<16xf32>,
        %add3A_400 = arith.constant 588 : i32
        %add3A_401 = vector.broadcast %add3A_400 : i32 to vector<16xi32>
        %add3A_402 = arith.addi %get3A_390, %add3A_401 : vector<16xi32>
        %gather3A_403 = tpu.vector_load_idx %arg8[%add3A_34, %add3A_402] : memref<32x784xf32, #tpu.memory_space<vmem>>[vector<16xi32>, vector<16xi32>], vector<16xf32>,
        %gather3A_404 = tpu.vector_load_idx %arg10[%get3A_390] : memref<196xf32, #tpu.memory_space<vmem>>[vector<16xi32>], vector<16xf32>,
        %gather3A_405 = tpu.vector_load_idx %arg11[%get3A_390] : memref<196xf32, #tpu.memory_space<vmem>>[vector<16xi32>], vector<16xf32>,
        %sub3A_406 = arith.subf %gather3A_404, %gather3A_391 : vector<16xf32>
        %mul3A_407 = vector.broadcast %mul3A_24 : f32 to vector<16xf32>
        %mul3A_408 = arith.mulf %sub3A_406, %mul3A_407 : vector<16xf32>
        %add3A_409 = vector.broadcast %squeeze3A : f32 to vector<16xf32>
        %add3A_410 = arith.addf %mul3A_408, %add3A_409 : vector<16xf32>
        %max3A_411 = arith.constant 0.000000e+00 : f32
        %max3A_412 = vector.broadcast %max3A_411 : f32 to vector<16xf32>
        %max3A_413 = arith.maximumf %add3A_410, %max3A_412 : vector<16xf32>
        %min3A_414 = arith.constant 1.023000e+03 : f32
        %min3A_415 = vector.broadcast %min3A_414 : f32 to vector<16xf32>
        %min3A_416 = arith.minimumf %max3A_413, %min3A_415 : vector<16xf32>
        %sub3A_417 = arith.subf %gather3A_405, %gather3A_395 : vector<16xf32>
        %mul3A_418 = vector.broadcast %mul3A_29 : f32 to vector<16xf32>
        %mul3A_419 = arith.mulf %sub3A_417, %mul3A_418 : vector<16xf32>
        %add3A_420 = vector.broadcast %squeeze3A_20 : f32 to vector<16xf32>
        %add3A_421 = arith.addf %mul3A_419, %add3A_420 : vector<16xf32>
        %max3A_422 = arith.constant 0.000000e+00 : f32
        %max3A_423 = vector.broadcast %max3A_422 : f32 to vector<16xf32>
        %max3A_424 = arith.maximumf %add3A_421, %max3A_423 : vector<16xf32>
        %min3A_425 = arith.constant 1.023000e+03 : f32
        %min3A_426 = vector.broadcast %min3A_425 : f32 to vector<16xf32>
        %min3A_427 = arith.minimumf %max3A_424, %min3A_426 : vector<16xf32>
        %add3A_428 = arith.addf %gather3A_404, %gather3A_399 : vector<16xf32>
        %mul3A_429 = vector.broadcast %mul3A_24 : f32 to vector<16xf32>
        %mul3A_430 = arith.mulf %add3A_428, %mul3A_429 : vector<16xf32>
        %add3A_431 = vector.broadcast %squeeze3A : f32 to vector<16xf32>
        %add3A_432 = arith.addf %mul3A_430, %add3A_431 : vector<16xf32>
        %max3A_433 = arith.constant 0.000000e+00 : f32
        %max3A_434 = vector.broadcast %max3A_433 : f32 to vector<16xf32>
        %max3A_435 = arith.maximumf %add3A_432, %max3A_434 : vector<16xf32>
        %min3A_436 = arith.constant 1.023000e+03 : f32
        %min3A_437 = vector.broadcast %min3A_436 : f32 to vector<16xf32>
        %min3A_438 = arith.minimumf %max3A_435, %min3A_437 : vector<16xf32>
        %add3A_439 = arith.addf %gather3A_405, %gather3A_403 : vector<16xf32>
        %mul3A_440 = vector.broadcast %mul3A_29 : f32 to vector<16xf32>
        %mul3A_441 = arith.mulf %add3A_439, %mul3A_440 : vector<16xf32>
        %add3A_442 = vector.broadcast %squeeze3A_20 : f32 to vector<16xf32>
        %add3A_443 = arith.addf %mul3A_441, %add3A_442 : vector<16xf32>
        %max3A_444 = arith.constant 0.000000e+00 : f32
        %max3A_445 = vector.broadcast %max3A_444 : f32 to vector<16xf32>
        %max3A_446 = arith.maximumf %add3A_443, %max3A_445 : vector<16xf32>
        %min3A_447 = arith.constant 1.023000e+03 : f32
        %min3A_448 = vector.broadcast %min3A_447 : f32 to vector<16xf32>
        %min3A_449 = arith.minimumf %max3A_446, %min3A_448 : vector<16xf32>
        %mul3A_450 = arith.constant 80 : i32
        %mul3A_451 = arith.muli %scan3A_16, %mul3A_450 : i32
        %add3A_452 = arith.constant 64 : i32
        %add3A_453 = arith.addi %mul3A_451, %add3A_452 : i32
        %add3A_454 = vector.broadcast %add3A_453 : i32 to vector<16xi32>
        %add3A_455 = arith.addi %add3A_454, %iota3A : vector<16xi32>
        %mul3A_456 = arith.constant 0 : i32
        %mul3A_457 = vector.broadcast %mul3A_456 : i32 to vector<16xi32>
        %mul3A_458 = arith.muli %add3A_34, %mul3A_457 : vector<16xi32>
        tpu.vector_store_idx %arg13[%mul3A_458, %add3A_455], %min3A_416 : memref<4x2560xf32, #tpu.memory_space<vmem>>[vector<16xi32>, vector<16xi32>], vector<16xf32>,
        %mul3A_459 = arith.constant 0 : i32
        %mul3A_460 = vector.broadcast %mul3A_459 : i32 to vector<16xi32>
        %mul3A_461 = arith.muli %add3A_34, %mul3A_460 : vector<16xi32>
        %add3A_462 = arith.constant 1 : i32
        %add3A_463 = vector.broadcast %add3A_462 : i32 to vector<16xi32>
        %add3A_464 = arith.addi %mul3A_461, %add3A_463 : vector<16xi32>
        tpu.vector_store_idx %arg13[%add3A_464, %add3A_455], %min3A_427 : memref<4x2560xf32, #tpu.memory_space<vmem>>[vector<16xi32>, vector<16xi32>], vector<16xf32>,
        %mul3A_465 = arith.constant 0 : i32
        %mul3A_466 = vector.broadcast %mul3A_465 : i32 to vector<16xi32>
        %mul3A_467 = arith.muli %add3A_34, %mul3A_466 : vector<16xi32>
        %add3A_468 = arith.constant 2 : i32
        %add3A_469 = vector.broadcast %add3A_468 : i32 to vector<16xi32>
        %add3A_470 = arith.addi %mul3A_467, %add3A_469 : vector<16xi32>
        tpu.vector_store_idx %arg13[%add3A_470, %add3A_455], %min3A_438 : memref<4x2560xf32, #tpu.memory_space<vmem>>[vector<16xi32>, vector<16xi32>], vector<16xf32>,
        %mul3A_471 = arith.constant 0 : i32
        %mul3A_472 = vector.broadcast %mul3A_471 : i32 to vector<16xi32>
        %mul3A_473 = arith.muli %add3A_34, %mul3A_472 : vector<16xi32>
        %add3A_474 = arith.constant 3 : i32
        %add3A_475 = vector.broadcast %add3A_474 : i32 to vector<16xi32>
        %add3A_476 = arith.addi %mul3A_473, %add3A_475 : vector<16xi32>
        tpu.vector_store_idx %arg13[%add3A_476, %add3A_455], %min3A_449 : memref<4x2560xf32, #tpu.memory_space<vmem>>[vector<16xi32>, vector<16xi32>], vector<16xf32>,
      }
      %scan3A_13 = arith.constant 8 : i32
      %mul3A_14 = arith.constant 80 : i32
      %mul3A_15 = arith.muli %mul3A_2, %mul3A_14 : i32
      "tpu.region"() ({
        %run_scoped3A = tpu.sem_alloc : memref<!tpu.dma_semaphore, #tpu.memory_space<semaphore_mem>>
        %dma_start3A = arith.constant 0 : i32
        %dma_start3A_16 = arith.constant 0 : i32
        %dma_start3A_17 = tpu.memref_slice %arg13[%dma_start3A, %dma_start3A_16] : memref<4x2560xf32, #tpu.memory_space<vmem>> -> memref<4x640xf32, #tpu.memory_space<vmem>>
        %dma_start3A_18 = arith.constant 0 : i32
        %dma_start3A_19 = tpu.memref_slice %arg7[%dma_start3A_18, %mul3A_15] : memref<4x80000xf32, #tpu.memory_space<hbm>> -> memref<4x640xf32, #tpu.memory_space<hbm>>
        %dma_start3A_20 = arith.constant 0 : i32
        %dma_start3A_21 = tpu.memref_slice %arg7[%dma_start3A_20, %mul3A_15] : memref<4x80000xf32, #tpu.memory_space<hbm>> -> memref<4x640xf32, #tpu.memory_space<hbm>>
        %dma_start3A_22 = arith.constant 0 : i32
        %dma_start3A_23 = arith.constant 0 : i32
        %dma_start3A_24 = tpu.memref_slice %arg13[%dma_start3A_22, %dma_start3A_23] : memref<4x2560xf32, #tpu.memory_space<vmem>> -> memref<4x640xf32, #tpu.memory_space<vmem>>
        tpu.enqueue_dma source(%dma_start3A_24 : memref<4x640xf32, #tpu.memory_space<vmem>>) target(%dma_start3A_21 : memref<4x640xf32, #tpu.memory_space<hbm>>) target_semaphore(%run_scoped3A : memref<!tpu.dma_semaphore, #tpu.memory_space<semaphore_mem>>)
        %dma_wait3A = arith.constant 0 : i32
        %dma_wait3A_25 = arith.constant 0 : i32
        %dma_wait3A_26 = tpu.memref_slice %arg13[%dma_wait3A, %dma_wait3A_25] : memref<4x2560xf32, #tpu.memory_space<vmem>> -> memref<4x640xf32, #tpu.memory_space<vmem>>
        %dma_wait3A_27 = arith.constant 0 : i32
        %dma_wait3A_28 = tpu.memref_slice %arg7[%dma_wait3A_27, %mul3A_15] : memref<4x80000xf32, #tpu.memory_space<hbm>> -> memref<4x640xf32, #tpu.memory_space<hbm>>
        %dma_wait3A_29 = arith.constant 0 : i32
        %dma_wait3A_30 = tpu.memref_slice %arg7[%dma_wait3A_29, %mul3A_15] : memref<4x80000xf32, #tpu.memory_space<hbm>> -> memref<4x640xf32, #tpu.memory_space<hbm>>
        %dma_wait3A_31 = arith.constant 0 : i32
        %dma_wait3A_32 = arith.constant 0 : i32
        %dma_wait3A_33 = tpu.memref_slice %arg13[%dma_wait3A_31, %dma_wait3A_32] : memref<4x2560xf32, #tpu.memory_space<vmem>> -> memref<4x640xf32, #tpu.memory_space<vmem>>
        tpu.wait_dma2 semaphore(%run_scoped3A : memref<!tpu.dma_semaphore, #tpu.memory_space<semaphore_mem>>) src(%dma_wait3A_33 : memref<4x640xf32, #tpu.memory_space<vmem>>) dst(%dma_wait3A_30 : memref<4x640xf32, #tpu.memory_space<hbm>>)
        tpu.yield
      }) : () -> ()
    } else {
    }
    return
  }
}

module attributes {stable_mosaic.version = 14 : i64} {
  func.func @_tc_body(%arg0: i32, %arg1: memref<14x80x1000xf32, #tpu.memory_space<vmem>>, %arg2: memref<1x14x1000xf32, #tpu.memory_space<vmem>>, %arg3: memref<1x1000xf32, #tpu.memory_space<vmem>>, %arg4: memref<80x1000xf32, #tpu.memory_space<vmem>>, %arg5: memref<80x1000xi32, #tpu.memory_space<vmem>>, %arg6: memref<80x1000xf32, #tpu.memory_space<vmem>>) attributes {dimension_semantics = [#tpu.dimension_semantics<arbitrary>], iteration_bounds = array<i64: 14>, scalar_prefetch = 0 : i64, scratch_operands = 0 : i64, tpu.core_type = #tpu.core_type<tc>, window_params = [{transform_indices = @transform_0, window_bounds = array<i64: 14, 80, 1000>}, {transform_indices = @transform_1, window_bounds = array<i64: 1, 14, 1000>}, {pipeline_mode = #tpu.pipeline_mode<synchronous>, transform_indices = @transform_2, window_bounds = array<i64: 1, 1000>}, {pipeline_mode = #tpu.pipeline_mode<synchronous>, transform_indices = @transform_3, window_bounds = array<i64: 80, 1000>}, {pipeline_mode = #tpu.pipeline_mode<synchronous>, transform_indices = @transform_4, window_bounds = array<i64: 80, 1000>}, {pipeline_mode = #tpu.pipeline_mode<synchronous>, transform_indices = @transform_5, window_bounds = array<i64: 80, 1000>}]} {
    %get3A = arith.constant 0 : index
    %get3A_0 = arith.constant 0 : index
    %get3A_1 = arith.constant 0 : index
    %get3A_2 = vector.load %arg2[%get3A, %get3A_0, %get3A_1] : memref<1x14x1000xf32, #tpu.memory_space<vmem>>, vector<1x14x1000xf32>
    %get3A_3 = vector.shape_cast %get3A_2 : vector<1x14x1000xf32> to vector<14x1000xf32>
    %neg3A = arith.constant 0.000000e+00 : f32
    %neg3A_4 = vector.broadcast %neg3A : f32 to vector<14x1000xf32>
    %neg3A_5 = arith.subf %neg3A_4, %get3A_3 : vector<14x1000xf32>
    %exp3A = math.exp %neg3A_5 : vector<14x1000xf32>
    %add3A = arith.constant 1.000000e+00 : f32
    %add3A_6 = vector.broadcast %add3A : f32 to vector<14x1000xf32>
    %add3A_7 = arith.addf %add3A_6, %exp3A : vector<14x1000xf32>
    %get3A_8 = arith.constant 0 : index
    %get3A_9 = arith.constant 0 : index
    %get3A_10 = arith.constant 0 : index
    %get3A_11 = vector.load %arg1[%get3A_8, %get3A_9, %get3A_10] : memref<14x80x1000xf32, #tpu.memory_space<vmem>>, vector<14x80x1000xf32>
    %neg3A_12 = arith.constant 0.000000e+00 : f32
    %neg3A_13 = vector.broadcast %neg3A_12 : f32 to vector<14x80x1000xf32>
    %neg3A_14 = arith.subf %neg3A_13, %get3A_11 : vector<14x80x1000xf32>
    %exp3A_15 = math.exp %neg3A_14 : vector<14x80x1000xf32>
    %add3A_16 = arith.constant 1.000000e+00 : f32
    %add3A_17 = vector.broadcast %add3A_16 : f32 to vector<14x80x1000xf32>
    %add3A_18 = arith.addf %add3A_17, %exp3A_15 : vector<14x80x1000xf32>
    %broadcast_in_dim3A = vector.shape_cast %add3A_7 : vector<14x1000xf32> to vector<14x1x1000xf32>
    %mul3A = vector.broadcast %broadcast_in_dim3A : vector<14x1x1000xf32> to vector<14x80x1000xf32>
    %mul3A_19 = arith.mulf %add3A_18, %mul3A : vector<14x80x1000xf32>
    %reduce_min3A = arith.constant dense<0x7F800000> : vector<80x1000xf32>
    %reduce_min3A_20 = vector.multi_reduction <minimumf>, %mul3A_19, %reduce_min3A [0] : vector<14x80x1000xf32> to vector<80x1000xf32>
    %iota3A = tpu.iota {dimensions = array<i32: 0>} : vector<14x80x1000xi32>
    %mul3A_21 = arith.constant 14 : i32
    %mul3A_22 = arith.muli %arg0, %mul3A_21 : i32
    %add3A_23 = vector.broadcast %mul3A_22 : i32 to vector<14x80x1000xi32>
    %add3A_24 = arith.addi %iota3A, %add3A_23 : vector<14x80x1000xi32>
    %broadcast_in_dim3A_25 = vector.shape_cast %reduce_min3A_20 : vector<80x1000xf32> to vector<1x80x1000xf32>
    %eq3A = vector.broadcast %broadcast_in_dim3A_25 : vector<1x80x1000xf32> to vector<14x80x1000xf32>
    %eq3A_26 = arith.cmpf oeq, %mul3A_19, %eq3A : vector<14x80x1000xf32>
    %jit3A = arith.constant 196 : i32
    %broadcast_in_dim3A_27 = vector.broadcast %jit3A : i32 to vector<14x80x1000xi32>
    %select_n3A = arith.select %eq3A_26, %add3A_24, %broadcast_in_dim3A_27 : vector<14x80x1000xi1>, vector<14x80x1000xi32>
    %reduce_min3A_28 = arith.constant dense<2147483647> : vector<80x1000xi32>
    %reduce_min3A_29 = vector.multi_reduction <minsi>, %select_n3A, %reduce_min3A_28 [0] : vector<14x80x1000xi32> to vector<80x1000xi32>
    %eq3A_30 = arith.constant 0 : i32
    %eq3A_31 = arith.cmpi eq, %arg0, %eq3A_30 : i32
    %convert_element_type3A = arith.extui %eq3A_31 : i1 to i32
    %cond3A = arith.constant 0 : i32
    %cond3A_32 = arith.cmpi ne, %convert_element_type3A, %cond3A : i32
    scf.if %cond3A_32 {
      %swap3A = arith.constant 0 : index
      %swap3A_42 = arith.constant 0 : index
      %swap3A_43 = vector.load %arg4[%swap3A, %swap3A_42] : memref<80x1000xf32, #tpu.memory_space<vmem>>, vector<80x1000xf32>
      tpu.vector_store %arg4[%swap3A, %swap3A_42], %reduce_min3A_20 {strides = array<i32>} : memref<80x1000xf32, #tpu.memory_space<vmem>>, vector<80x1000xf32>,
      %swap3A_44 = arith.constant 0 : index
      %swap3A_45 = arith.constant 0 : index
      %swap3A_46 = vector.load %arg5[%swap3A_44, %swap3A_45] : memref<80x1000xi32, #tpu.memory_space<vmem>>, vector<80x1000xi32>
      tpu.vector_store %arg5[%swap3A_44, %swap3A_45], %reduce_min3A_29 {strides = array<i32>} : memref<80x1000xi32, #tpu.memory_space<vmem>>, vector<80x1000xi32>,
    } else {
    }
    %gt3A = arith.constant 0 : i32
    %gt3A_33 = arith.cmpi sgt, %arg0, %gt3A : i32
    %convert_element_type3A_34 = arith.extui %gt3A_33 : i1 to i32
    %cond3A_35 = arith.constant 0 : i32
    %cond3A_36 = arith.cmpi ne, %convert_element_type3A_34, %cond3A_35 : i32
    scf.if %cond3A_36 {
      %get3A_42 = arith.constant 0 : index
      %get3A_43 = arith.constant 0 : index
      %get3A_44 = vector.load %arg4[%get3A_42, %get3A_43] : memref<80x1000xf32, #tpu.memory_space<vmem>>, vector<80x1000xf32>
      %lt3A = arith.cmpf olt, %reduce_min3A_20, %get3A_44 : vector<80x1000xf32>
      %get3A_45 = arith.constant 0 : index
      %get3A_46 = arith.constant 0 : index
      %get3A_47 = vector.load %arg5[%get3A_45, %get3A_46] : memref<80x1000xi32, #tpu.memory_space<vmem>>, vector<80x1000xi32>
      %select_n3A_48 = arith.select %lt3A, %reduce_min3A_29, %get3A_47 : vector<80x1000xi1>, vector<80x1000xi32>
      %swap3A = arith.constant 0 : index
      %swap3A_49 = arith.constant 0 : index
      %swap3A_50 = vector.load %arg5[%swap3A, %swap3A_49] : memref<80x1000xi32, #tpu.memory_space<vmem>>, vector<80x1000xi32>
      tpu.vector_store %arg5[%swap3A, %swap3A_49], %select_n3A_48 {strides = array<i32>} : memref<80x1000xi32, #tpu.memory_space<vmem>>, vector<80x1000xi32>,
      %get3A_51 = arith.constant 0 : index
      %get3A_52 = arith.constant 0 : index
      %get3A_53 = vector.load %arg4[%get3A_51, %get3A_52] : memref<80x1000xf32, #tpu.memory_space<vmem>>, vector<80x1000xf32>
      %min3A = arith.minimumf %reduce_min3A_20, %get3A_53 : vector<80x1000xf32>
      %swap3A_54 = arith.constant 0 : index
      %swap3A_55 = arith.constant 0 : index
      %swap3A_56 = vector.load %arg4[%swap3A_54, %swap3A_55] : memref<80x1000xf32, #tpu.memory_space<vmem>>, vector<80x1000xf32>
      tpu.vector_store %arg4[%swap3A_54, %swap3A_55], %min3A {strides = array<i32>} : memref<80x1000xf32, #tpu.memory_space<vmem>>, vector<80x1000xf32>,
    } else {
    }
    %eq3A_37 = arith.constant 13 : i32
    %eq3A_38 = arith.cmpi eq, %arg0, %eq3A_37 : i32
    %convert_element_type3A_39 = arith.extui %eq3A_38 : i1 to i32
    %cond3A_40 = arith.constant 0 : i32
    %cond3A_41 = arith.cmpi ne, %convert_element_type3A_39, %cond3A_40 : i32
    scf.if %cond3A_41 {
      %get3A_42 = arith.constant 0 : index
      %get3A_43 = arith.constant 0 : index
      %get3A_44 = vector.load %arg4[%get3A_42, %get3A_43] : memref<80x1000xf32, #tpu.memory_space<vmem>>, vector<80x1000xf32>
      %div3A = arith.constant 1.000000e+00 : f32
      %div3A_45 = vector.broadcast %div3A : f32 to vector<80x1000xf32>
      %div3A_46 = arith.divf %div3A_45, %get3A_44 : vector<80x1000xf32>
      %sqrt3A = math.sqrt %div3A_46 : vector<80x1000xf32>
      %get3A_47 = arith.constant 0 : index
      %get3A_48 = arith.constant 0 : index
      %get3A_49 = vector.load %arg3[%get3A_47, %get3A_48] : memref<1x1000xf32, #tpu.memory_space<vmem>>, vector<1x1000xf32>
      %mul3A_50 = vector.broadcast %get3A_49 : vector<1x1000xf32> to vector<80x1000xf32>
      %mul3A_51 = arith.mulf %sqrt3A, %mul3A_50 : vector<80x1000xf32>
      %sqrt3A_52 = math.sqrt %mul3A_51 : vector<80x1000xf32>
      %swap3A = arith.constant 0 : index
      %swap3A_53 = arith.constant 0 : index
      %swap3A_54 = vector.load %arg6[%swap3A, %swap3A_53] : memref<80x1000xf32, #tpu.memory_space<vmem>>, vector<80x1000xf32>
      tpu.vector_store %arg6[%swap3A, %swap3A_53], %sqrt3A_52 {strides = array<i32>} : memref<80x1000xf32, #tpu.memory_space<vmem>>, vector<80x1000xf32>,
    } else {
    }
    return
  }
  func.func @transform_0(%arg0: i32) -> (i32, i32, i32) {
    %c0_i32 = arith.constant 0 : i32
    %c0_i32_0 = arith.constant 0 : i32
    %c0_i32_1 = arith.constant 0 : i32
    return %arg0, %c0_i32, %c0_i32_0 : i32, i32, i32
  }
  func.func @transform_1(%arg0: i32) -> (i32, i32, i32) {
    %c0_i32 = arith.constant 0 : i32
    %c0_i32_0 = arith.constant 0 : i32
    %c0_i32_1 = arith.constant 0 : i32
    return %arg0, %c0_i32, %c0_i32_0 : i32, i32, i32
  }
  func.func @transform_2(%arg0: i32) -> (i32, i32) {
    %c0_i32 = arith.constant 0 : i32
    %c0_i32_0 = arith.constant 0 : i32
    %c0_i32_1 = arith.constant 0 : i32
    return %c0_i32, %c0_i32_0 : i32, i32
  }
  func.func @transform_3(%arg0: i32) -> (i32, i32) {
    %c0_i32 = arith.constant 0 : i32
    %c0_i32_0 = arith.constant 0 : i32
    %c0_i32_1 = arith.constant 0 : i32
    return %c0_i32, %c0_i32_0 : i32, i32
  }
  func.func @transform_4(%arg0: i32) -> (i32, i32) {
    %c0_i32 = arith.constant 0 : i32
    %c0_i32_0 = arith.constant 0 : i32
    %c0_i32_1 = arith.constant 0 : i32
    return %c0_i32, %c0_i32_0 : i32, i32
  }
  func.func @transform_5(%arg0: i32) -> (i32, i32) {
    %c0_i32 = arith.constant 0 : i32
    %c0_i32_0 = arith.constant 0 : i32
    %c0_i32_1 = arith.constant 0 : i32
    return %c0_i32, %c0_i32_0 : i32, i32
  }
}

</mosaic_0001>

<sc_bundles>
// kernel: kernel.4.cloned.1.call-start
scs
__scs_entry_jumppad:
0x0: {  	(pc) =	sbr.rel $0x88, $3  }
0x1: {  	(tag) =	ssettag $0x0;
	lr =	simm.s32 $0x1  }
0x2: {  	[smem:$0x3F9C] =	sst lr;
	_ =	strace $0xD0000000  }
0x3: {  	_ = 	snop  }
0x4: {  	_ = 	snop  }
0x5: {  	_ = 	snop  }
0x6: {  	_ = 	snop  }
0x7: {  	_ = 	snop  }
__scs_overlays_trampoline_lowered:
0x8: {  	[smem:$0x3FAB] =	sst s0  }
0x9: {  	[smem:$0x3FAC] =	sst s1  }
0xa: {  	[smem:$0x3FAD] =	sst s2  }
0xb: {  	[smem:$0x3FAE] =	sst s3  }
0xc: {  	[smem:$0x3FAF] =	sst s4  }
0xd: {  	[smem:$0x3FB0] =	sst s5  }
0xe: {  	[smem:$0x3FB1] =	sst s6  }
0xf: {  	[smem:$0x3FB2] =	sst s7  }
0x10: {  	[smem:$0x3FB3] =	sst s8  }
0x11: {  	[smem:$0x3FB4] =	sst s9;
	s0 =	simm.s32 @!p0 $0x0  }
0x12: {  	s1 =	sld [smem:$0x3F9A];
	s0 =	simm.s32 @p0 $0x1  }
0x13: {  	[smem:$0x3FB5] =	sst s0;
	s0 =	simm.s32 @!p1 $0x0  }
0x14: {  	s2 =	sld [smem:$0x3F99];
	s0 =	simm.s32 @p1 $0x1  }
0x15: {  	[smem:$0x3FB6] =	sst s0;
	s0 =	simm.s32 @!p2 $0x0  }
0x16: {  	s3 =	sld [smem:$0x3FDB];
	s0 =	simm.s32 @p2 $0x1  }
0x17: {  	s4 =	simm.s32 $0x1BF5;
	[smem:$0x3FB8] =	sst s0  }
0x18: {  	s0 =	sld [smem:$0x3F9B];
	_ =	swait.ge [sflag:s4], $0x0  }
0x19: {  	s7 =	sld [smem:$0x3F9C]  }
0x1a: {  	s8 =	sadd.s32 $0xFFFFE003, lr  }
0x1b: {  	s9 =	sadd.s32 $0xFFFFFEF7, lr;
	s5 =	simm.s32 $0xFFFFFFFF;
	p2 =	slt.u32 s8, $0xFFFFF086  }
0x1c: {  	p1 =	slt.u32 s9, $0xF7A;
	s5 =	simm.s32 @!p2 $0x0  }
0x1d: {  	s5 =	simm.s32 @p1 $0x1;
	p0 =	seq.s32 s7, s2  }
0x1e: {  	s7 =	smul.u32 @!p0 $0xF7A, s2;
	p2 =	seq.s32 @!p0 s5, $0x0  }
0x1f: {  	s9 =	smul.u32 $0xF7A, s1;
	s8 =	simm.s32 @!p0 $0x1BF5;
	p2 =	por !p2, p0  }
0x20: {  	[sflag:s8] =	ssyncset.s32 @!p0 $0xFFFFF086;
	s6 =	sadd.s32 @!p0 s3, s7;
	s7 =	simm.s32 @!p0 $0x108  }
0x21: {  	s3 =	sadd.s32 s3, s9;
	s6 =	sadd.s32 @!p0 $0x88, s6;
	s7 =	simm.s32 @p2 $0x1082  }
0x22: {  	[simem:s7], [sflag:s8] =	dma.local @!p0 [hbm:s6], $0xF7A  }
0x23: {  	s9 =	sor.u32 $0xD0000000, s2;
	s6 =	simm.s32 $0x108;
	_ =	swait.ge @!p0 [sflag:s8], $0x0  }
0x24: {  	s3 =	sadd.s32 $0x88, s3;
	s6 =	simm.s32 @!p1 $0x1082;
	[sflag:s4] =	ssyncset.s32 $0xFFFFF086  }
0x25: {  	[simem:s6], [sflag:s4] =	dma.local [hbm:s3], $0xF7A  }
0x26: {  	[smem:$0x3F9C] =	sst s1;
	(tag) =	ssettag s2;
	_ =	strace s9  }
0x27: {  	s1 =	sld [smem:$0x3FAC]  }
0x28: {  	s2 =	sld [smem:$0x3FAD]  }
0x29: {  	s4 =	sld [smem:$0x3FAF]  }
0x2a: {  	p0 =	seq.s32 s5, $0x0;
	s5 =	sld [smem:$0x3FB0]  }
0x2b: {  	s6 =	sld [smem:$0x3FB1]  }
0x2c: {  	s7 =	sld [smem:$0x3FB2]  }
0x2d: {  	s3 =	simm.s32 $0x108;
	s8 =	sld [smem:$0x3FB3]  }
0x2e: {  	s3 =	simm.s32 @!p0 $0x1082;
	s9 =	sld [smem:$0x3FB4]  }
0x2f: {  	lr =	sadd.s32 s0, s3;
	s0 =	sld [smem:$0x3FAB]  }
0x30: {  	s3 =	sld [smem:$0x3FAE]  }
0x31: {  	[smem:$0x3FB7] =	sst s10  }
0x32: {  	s10 =	sld [smem:$0x3FB5];
	_ =	sdelay $0x3  }
0x33: {  	p0 =	seq.s32 s10, $0x1;
	s10 =	sld [smem:$0x3FB7];
	_ =	sdelay $0x3  }
0x34: {  	[smem:$0x3FB7] =	sst s10  }
0x35: {  	s10 =	sld [smem:$0x3FB6];
	_ =	sdelay $0x3  }
0x36: {  	p1 =	seq.s32 s10, $0x1;
	s10 =	sld [smem:$0x3FB7];
	_ =	sdelay $0x3  }
0x37: {  	[smem:$0x3FB7] =	sst s10  }
0x38: {  	s10 =	sld [smem:$0x3FB8]  }
0x39: {  	_ = 	snop;
	(pc) =	sbr.ind lr, $3  }
0x3a: {  	_ = 	snop  }
0x3b: {  	_ = 	snop  }
0x3c: {  	p2 =	seq.s32 s10, $0x1;
	s10 =	sld [smem:$0x3FB7]  }
0x3d: {  	_ =	shalt  }
0x3e: {  	_ =	shalt  }
0x3f: {  	_ =	shalt  }
0x40: {  	_ =	shalt  }
0x41: {  	_ =	shalt  }
0x42: {  	_ =	shalt  }
0x43: {  	_ =	shalt  }
0x44: {  	_ =	shalt  }
0x45: {  	_ =	shalt  }
0x46: {  	_ =	shalt  }
0x47: {  	_ =	shalt  }
0x48: {  	_ =	shalt  }
0x49: {  	_ =	shalt  }
0x4a: {  	_ =	shalt  }
0x4b: {  	_ =	shalt  }
0x4c: {  	_ =	shalt  }
0x4d: {  	_ =	shalt  }
0x4e: {  	_ =	shalt  }
0x4f: {  	_ =	shalt  }
0x50: {  	_ =	shalt  }
0x51: {  	_ =	shalt  }
0x52: {  	_ =	shalt  }
0x53: {  	_ =	shalt  }
0x54: {  	_ =	shalt  }
0x55: {  	_ =	shalt  }
0x56: {  	_ =	shalt  }
0x57: {  	_ =	shalt  }
0x58: {  	_ =	shalt  }
0x59: {  	_ =	shalt  }
0x5a: {  	_ =	shalt  }
0x5b: {  	_ =	shalt  }
0x5c: {  	_ =	shalt  }
0x5d: {  	_ =	shalt  }
0x5e: {  	_ =	shalt  }
0x5f: {  	_ =	shalt  }
0x60: {  	_ =	shalt  }
0x61: {  	_ =	shalt  }
0x62: {  	_ =	shalt  }
0x63: {  	_ =	shalt  }
0x64: {  	_ =	shalt  }
0x65: {  	_ =	shalt  }
0x66: {  	_ =	shalt  }
0x67: {  	_ =	shalt  }
0x68: {  	_ =	shalt  }
0x69: {  	_ =	shalt  }
0x6a: {  	_ =	shalt  }
0x6b: {  	_ =	shalt  }
0x6c: {  	_ =	shalt  }
0x6d: {  	_ =	shalt  }
0x6e: {  	_ =	shalt  }
0x6f: {  	_ =	shalt  }
0x70: {  	_ =	shalt  }
0x71: {  	_ =	shalt  }
0x72: {  	_ =	shalt  }
0x73: {  	_ =	shalt  }
0x74: {  	_ =	shalt  }
0x75: {  	_ =	shalt  }
0x76: {  	_ =	shalt  }
0x77: {  	_ =	shalt  }
0x78: {  	_ =	shalt  }
0x79: {  	_ =	shalt  }
0x7a: {  	_ =	shalt  }
0x7b: {  	_ =	shalt  }
0x7c: {  	_ =	shalt  }
0x7d: {  	_ =	shalt  }
0x7e: {  	_ =	shalt  }
0x7f: {  	_ =	shalt  }
0x80: {  	_ =	shalt  }
0x81: {  	_ =	shalt  }
0x82: {  	_ =	shalt  }
0x83: {  	_ =	shalt  }
0x84: {  	_ =	shalt  }
0x85: {  	_ =	shalt  }
0x86: {  	_ =	shalt  }
0x87: {  	_ =	shalt  }
.Lfunc_end0:
.L_simem_size_0:
called_computation_lowered:
.L_overlay_start_0:
0x88: {  	s2 =	sld [smem:$0x3FD9]  }
0x89: {  	s3 =	sld [smem:$0x3FFE];
	_ =	sdelay $0x1  }
0x8a: {  	s1 =	srdreg.scid  }
0x8b: {  	s0 =	sand.u32 $0x1, s1  }
0x8c: {  	s14 =	sshll.u32 s0, $0xA;
	s2 =	sadd.s32 s3, s2  }
0x8d: {  	s2 =	sadd.s32 s2, s14  }
0x8e: {  	[smem:$0x3FC3] =	sst s2  }
0x8f: {  	_ = 	snop  }
0x90: {  	s2 =	sld [smem:$0x3FD0];
	_ =	sdelay $0x2  }
0x91: {  	s15 =	simm.s32 $0xA;
	s4 =	simm.s32 $0x10  }
0x92: {  	[smem:s4], [sflag:s15] =	dma.local [hbm:s2], $0x1  }
0x93: {  	_ =	swait.eq [sflag:s15], $0x1  }
0x94: {  	[sflag:s15] =	ssyncset.done $0x0  }
0x95: {  	[sflag:s15] =	ssyncadd.s32 $0xFFFFFFFF  }
0x96: {  	s16 =	sld [smem:$0x10];
	(tm) =	ssettm $0x1  }
0x97: {  	s17 =	sld [smem:$0x3FFB];
	_ =	sdelay $0x3  }
0x98: {  	_ =	strace s17  }
0x99: {  	s3 =	sld [smem:$0x3FFC];
	_ =	sdelay $0x3  }
0x9a: {  	_ =	strace s3  }
0x9b: {  	s3 =	sld [smem:$0x3FFD];
	_ =	sdelay $0x3  }
0x9c: {  	_ =	strace s3  }
0x9d: {  	_ =	strace $0x8FFFFFFF  }
0x9e: {  	s18 =	sld [smem:$0x3FDB];
	_ =	sdelay $0x1  }
0x9f: {  	s19 =	simm.s32 $_scs_section_size  }
0xa0: {  	s5 =	simm.s32 $_size__tile_overlayer_lowered;
	s6 =	simm.s32 $_tile_overlayer_lowered  }
0xa1: {  	s22 =	simm.s32 $0x1BFF;
	s21 =	sshll.u32 s6, $0x1;
	s3 =	sadd.s32 s19, s18  }
0xa2: {  	s7 =	simm.s32 $0x0;
	s20 =	sshll.u32 s5, $0x1;
	s5 =	sadd.s32 s21, s3  }
0xa3: {  	[timem:s7], [sflag:s22] =	dma.local [hbm:s5], s20  }
0xa4: {  	_ =	swait.ge [sflag:s22], s20  }
0xa5: {  	s4 =	ssub.s32 $0x0, s20;
	[sflag:s22] =	ssyncset.done $0x0  }
0xa6: {  	[sflag:s22] =	ssyncadd.s32 s4;
	_ =	sdelay $0x1  }
0xa7: {  	s23 =	simm.s32 $0x1B8B  }
0xa8: {  	_ =	swait.ge [sflag:s23], $0x1  }
0xa9: {  	[sflag:s23] =	ssyncset.done $0x0  }
0xaa: {  	s25 =	simm.s32 $0x1B8E;
	s24 =	sld [smem:$0x3FFE];
	[sflag:s23] =	ssyncadd.s32 $0xFFFFFFFF  }
0xab: {  	s26 =	simm.s32 $execute0_lowered;
	[smem:$0x3FD2] =	sst s25  }
0xac: {  	s5 =	sshll.u32 s26, $0x1;
	_ =	strace $0x80000046;
	[dreg:$0x1] =	wrdreg $0xFFFFFFFF  }
0xad: {  	s28 =	simm.s32 $_size_execute0_lowered;
	s3 =	sadd.s32 s3, s5;
	[dreg:$0x0] =	wrdreg $0x0  }
0xae: {  	s5 =	sshll.u32 s28, $0x1;
	[dreg:$0x2] =	wrdreg s3  }
0xaf: {  	[dreg:$0x3] =	wrdreg s5  }
0xb0: {  	[dreg:$0x4] =	wrdreg $0xC0  }
0xb1: {  	_ =	task [dreg:s7], $0x5FFFF  }
0xb2: {  	[dreg:$0x1] =	wrdreg $0xFFFFFFFF  }
0xb3: {  	[dreg:$0x0] =	wrdreg $0x60  }
0xb4: {  	[dreg:$0x2] =	wrdreg s24  }
0xb5: {  	[dreg:$0x3] =	wrdreg s16  }
0xb6: {  	[dreg:$0x4] =	wrdreg $0x9  }
0xb7: {  	_ =	task.clear_ibuf [dreg:s7], $0x5FFFF;
	_ =	strace $0x90000046  }
0xb8: {  	s29 =	simm.s32 $0x9;
	_ =	strace $0x80000048  }
0xb9: {  	_ =	swait.ge [sflag:s29], $0x1  }
0xba: {  	[sflag:s29] =	ssyncadd.s32 $0xFFFFFFFF  }
0xbb: {  	_ =	strace $0x90000048  }
0xbc: {  	_ =	sfence  }
0xbd: {  	s30 =	sld [smem:$0x0];
	_ =	sdelay $0x2  }
0xbe: {  	s31 =	sshll.u32 s1, $0xD;
	s1 =	sshrl.u32 s1, $0x2  }
0xbf: {  	s3 =	sand.u32 $0x4000, s31;
	s1 =	sadd.s32 s1, s30  }
0xc0: {  	s0 =	sor.u32 s3, s0;
	s1 =	sshll.u32 s1, $0x11  }
0xc1: {  	s0 =	sor.u32 s1, s0  }
0xc2: {  	s0 =	sadd.s32 $0x8F2B, s0  }
0xc3: {  	[sflag:s0] =	ssyncadd.remote.s32 $0x1  }
0xc4: {  	_ =	sfence.sel $0xFFFF  }
0xc5: {  	[dreg:$0x0] =	wrdreg $0xFFFFFFFF;
	(pc) =	sbr.abs _section_cstart, $3  }
0xc6: {  	[dreg:$0x1] =	wrdreg $0xFFFFFFFF  }
0xc7: {  	_ =	task.clear_ibuf [dreg:s7], $0x2FFFF;
	_ =	strace $0x9FFFFFFF  }
0xc8: {  	(tm) =	ssettm $0x7FFFFFFF  }
0xc9: {  	_ =	shalt  }
tec
execute0_lowered:
.L_overlay_start_1:
0x0: {  	(tag) =	ssettag $0x1  }
0x1: {  	s11 =	rddreg [dreg:$0x0];
	s1 =	srdreg.scid  }
0x2: {  	s0 =	stileid.u32;
	s12 =	rddreg [dreg:$0x1];
	s2 =	simm.s32 $0x0  }
0x3: {  	s15 =	simm.s32 $0x1;
	s16 =	simm.s32 $0x8100;
	s17 =	simm.s32 $0x7000  }
0x4: {  	s18 =	simm.s32 $0x9200;
	s3 =	sand.u32 $0x1, s1;
	s1 =	rddreg [dreg:$0x2]  }
0x5: {  	s19 =	simm.s32 $0x0;
	s4 =	sshll.u32 s0, $0x1;
	[smem:$0x7FF] =	sst s2  }
0x6: {  	s10 =	sadd.s32 $0x4E00, s11;
	s14 =	sor.u32 s3, s4;
	_ =	strace $0x80000047  }
0x7: {  	s31 =	ssub.s32 $0x2, s3;
	s3 =	sadd.s32 $0x24600, s11;
	s4 =	smul.u32 $0xE00, s14  }
0x8: {  	s5 =	sshll.u32 s14, $0x9;
	s8 =	sshrl.u32 s31, $0x1;
	s9 =	smul.u32 $0x500, s14  }
.Ltmp0:
0x9: {  	p0 =	seq.s32 s14, $0x1F;
	s14 =	simm.s32 $0x8000;
	(pc) =	sbr.rel .LBB2_1-.Ltmp0, $4  }
0xa: {  	s7 =	sadd.s32 s5, s11;
	s13 =	ssub.s32 s31, s8;
	s6 =	sadd.s32 s4, s11  }
0xb: {  	s4 =	sadd.s32 $0x24800, s11;
	s8 =	sadd.s32 s12, s9;
	s9 =	sadd.s32 $0x20200, s11  }
0xc: {  	s11 =	sadd.s32 $0x24400, s11;
	s12 =	sadd.s32 $0x9B00, s12;
	s13 =	smax.u32 s13, $0x1  }
0xd: {  	v0 =	vlaneseq.u32;
	s5 =	sadd.s32 $0x5000, s6;
	s6 =	sadd.s32 $0x1000, s7;
	s7 =	sadd.s32 $0x20600, s7  }
.LBB2_4:
0xe: {  	[hbm4b:s8+s2] =	stream.linear.scatter [tilespmem:s18], [sflag:$0x1], $0x2800, $0x38;
	[tilespmem:$0xBA00] =	vst v63  }
0xf: {  	_ =	swait.ge [sflag:s15], $0x2800  }
0x10: {  	[sflag:s15] =	ssyncset.done $0x0  }
0x11: {  	[sflag:s15] =	ssyncadd.s32 $0xFFFFD800  }
.LBB2_8:
0x12: {  	s19 =	sadd.s32 $0x1, s19  }
0x13: {  	p1 =	sne.s32 s19, s13  }
.Ltmp1:
0x14: {  	_ = 	snop;
	(pc) =	sbr.rel @!p1 .LBB2_9-.Ltmp1, $1  }
0x15: {  	_ =	sdelay $0x3  }
.LBB2_1:
0x16: {  	[tilespmem:s14], [sflag:$0x1] =	stream.linear.gather [hbm4b:s3+s2], $0x100, $0x38;
	[tilespmem:$0xBA00] =	vst v63  }
0x17: {  	_ =	swait.ge [sflag:s15], $0x100  }
0x18: {  	[sflag:s15] =	ssyncset.done $0x0  }
.Ltmp2:
0x19: {  	[sflag:s15] =	ssyncadd.s32 $0xFFFFFF00;
	(pc) =	sbr.rel @!p0 .LBB2_2-.Ltmp2, $4  }
0x1a: {  	[tilespmem:s16], [sflag:$0x1] =	stream.linear.gather [hbm4b:s4+s2], $0x100, $0x38;
	[tilespmem:$0xBA00] =	vst v63  }
0x1b: {  	_ =	swait.ge [sflag:s15], $0x100  }
0x1c: {  	[sflag:s15] =	ssyncset.done $0x0  }
0x1d: {  	s20 =	simm.s32 $0x0;
	[sflag:s15] =	ssyncadd.s32 $0xFFFFFF00  }
0x1e: {  	[tilespmem:s20], [sflag:$0x1] =	stream.linear.gather [hbm4b:s9+s20], $0x1C00, $0x38;
	[tilespmem:$0xBA00] =	vst v63  }
0x1f: {  	_ =	swait.ge [sflag:s15], $0x1C00  }
0x20: {  	[sflag:s15] =	ssyncset.done $0x0  }
0x21: {  	[sflag:s15] =	ssyncadd.s32 $0xFFFFE400  }
0x22: {  	[tilespmem:s17], [sflag:$0x1] =	stream.linear.gather [hbm4b:s10+s20], $0x400, $0x38;
	[tilespmem:$0xBA00] =	vst v63  }
0x23: {  	_ =	swait.ge [sflag:s15], $0x400  }
0x24: {  	[sflag:s15] =	ssyncset.done $0x0  }
0x25: {  	s21 =	simm.s32 $0x8200;
	[sflag:s15] =	ssyncadd.s32 $0xFFFFFC00  }
0x26: {  	[tilespmem:s21], [sflag:$0x1] =	stream.linear.gather [hbm4b:s11+s20], $0x400, $0x38;
	[tilespmem:$0xBA00] =	vst v63  }
0x27: {  	_ =	swait.ge [sflag:s15], $0x400  }
0x28: {  	[sflag:s15] =	ssyncset.done $0x0  }
0x29: {  	s22 =	simm.s32 $0x40;
	s23 =	simm.s32 $0x7020;
	[sflag:s15] =	ssyncadd.s32 $0xFFFFFC00  }
.LBB2_6:
0x2a: {  	v3 =	vld [tilespmem:s21+$0x0];
	_ =	sdelay $0x4  }
0x2b: {  	v2 =	vld [tilespmem:s23+$0xFFFFFFE0];
	(v2sf) =	vpush v3, $0x0  }
0x2c: {  	(v2sf) =	vpush v3, $0x1  }
0x2d: {  	v1 =	vmov s20;
	(v2sf) =	vpush v3, $0x2  }
0x2e: {  	v1 =	vshll.u32 v1, $0x7;
	(v2sf) =	vpush v3, $0x3  }
0x2f: {  	v1 =	vand.u32 $0x380, v1  }
0x30: {  	v1 =	vbroadcast v1, $0x0;
	v4 =	vand.u32 $0x7F, v2;
	v5 =	vshll.u32 v2, $0x3  }
0x31: {  	v6 =	vadd.s32 $0xC4, v2;
	v36 =	vadd.s32 $0x188, v2;
	v8 =	vadd.s32 $0x24C, v2  }
0x32: {  	v5 =	vand.u32 $0xFFFFFC00, v5;
	v7 =	vshll.u32 v6, $0x3;
	v34 =	vand.u32 $0x7F, v6  }
0x33: {  	v37 =	vshll.u32 v36, $0x3;
	v6 =	vand.u32 $0x7F, v36;
	v9 =	vshll.u32 v8, $0x3  }
0x34: {  	v38 =	vand.u32 $0x7F, v8;
	v4 =	vor.u32 v5, v4;
	v35 =	vand.u32 $0xFFFFFC00, v7  }
0x35: {  	v7 =	vand.u32 $0xFFFFFC00, v37;
	v4 =	vor.u32 v1, v4;
	v5 =	vor.u32 v35, v34  }
0x36: {  	v39 =	vand.u32 $0xFFFFFC00, v9;
	v6 =	vor.u32 v7, v6;
	v5 =	vor.u32 v1, v5  }
0x37: {  	v7 =	vor.u32 v39, v38;
	v6 =	vor.u32 v1, v6  }
0x38: {  	v40 =	vld.idx.msk [tilespmem:v2+s14+$0x0], $0xffff;
	v7 =	vor.u32 v1, v7  }
0x39: {  	v41 =	vld.idx.msk [tilespmem:v2+s16+$0x0], $0xffff  }
0x3a: {  	v4 =	vld.idx.msk [tilespmem:v4+s2+$0x0], $0xffff;
	s24 =	spop (v2sf)  }
0x3b: {  	v5 =	vld.idx.msk [tilespmem:v5+s2+$0x0], $0xffff;
	s25 =	spop (v2sf)  }
0x3c: {  	s28 =	sadd.s32 $0xFFFFFFC0, s22;
	v6 =	vld.idx.msk [tilespmem:v6+s2+$0x0], $0xffff;
	s26 =	spop (v2sf)  }
0x3d: {  	v10 =	vmov s28;
	v7 =	vld.idx.msk [tilespmem:v7+s2+$0x0], $0xffff;
	s24 =	ssub.f32 s26, s24;
	s31 =	spop (v2sf)  }
0x3e: {  	v11 =	vor.u32 s28, v0;
	v10 =	vshll.u32 v10, $0x2;
	s25 =	ssub.f32 s31, s25  }
0x3f: {  	v44 =	vand.u32 $0x7F, v11;
	v10 =	vand.u32 $0xE00, v10;
	v2 =	vsub.f32 v40, v4;
	s24 =	smul.f32 $7.142857460e-02, s24  }
0x40: {  	v8 =	vor.u32 v44, v10;
	v42 =	vsub.f32 v41, v5;
	s25 =	smul.f32 $7.142857460e-02, s25  }
0x41: {  	v6 =	vadd.f32 v40, v6;
	v43 =	vmul.f32 s24, v2;
	v2 =	vbroadcast v3, $0x0  }
0x42: {  	v7 =	vadd.f32 v41, v7;
	v3 =	vbroadcast v3, $0x1;
	v4 =	vmul.f32 s25, v42  }
0x43: {  	v45 =	vor.u32 $0x80, v8;
	v6 =	vmul.f32 s24, v6;
	v5 =	vadd.f32 v43, v2  }
0x44: {  	v10 =	vor.u32 $0x100, v8;
	v7 =	vmul.f32 s25, v7;
	v4 =	vadd.f32 v4, v3  }
0x45: {  	v46 =	vor.u32 $0x180, v8;
	v6 =	vadd.f32 v6, v2;
	v5 =	vmax.f32 v5, $0.0e+00  }
0x46: {  	v7 =	vadd.f32 v7, v3;
	v5 =	vmin.f32 v5, $1.023000000e+03;
	v4 =	vmax.f32 v4, $0.0e+00  }
0x47: {  	v6 =	vmax.f32 v6, $0.0e+00;
	v4 =	vmin.f32 v4, $1.023000000e+03;
	[tilespmem:v8+s18+$0x0] =	vst.idx.msk $0xffff, v5  }
0x48: {  	v47 =	vmin.f32 v6, $1.023000000e+03;
	v48 =	vmax.f32 v7, $0.0e+00;
	[tilespmem:v45+s18+$0x0] =	vst.idx.msk $0xffff, v4  }
0x49: {  	v49 =	vmin.f32 v48, $1.023000000e+03;
	[tilespmem:v10+s18+$0x0] =	vst.idx.msk $0xffff, v47  }
0x4a: {  	[tilespmem:v46+s18+$0x0] =	vst.idx.msk $0xffff, v49  }
0x4b: {  	v4 =	vld [tilespmem:s23+$0xFFFFFFF0];
	_ =	sdelay $0x4  }
0x4c: {  	v50 =	vshll.u32 v4, $0x3;
	v51 =	vand.u32 $0x7F, v4  }
0x4d: {  	v52 =	vadd.s32 $0xC4, v4;
	v54 =	vadd.s32 $0x188, v4;
	v56 =	vadd.s32 $0x24C, v4  }
0x4e: {  	v5 =	vand.u32 $0xFFFFFC00, v50;
	v53 =	vshll.u32 v52, $0x3;
	v7 =	vand.u32 $0x7F, v52  }
0x4f: {  	v55 =	vshll.u32 v54, $0x3;
	v57 =	vshll.u32 v56, $0x3;
	v58 =	vand.u32 $0x7F, v56  }
0x50: {  	v5 =	vor.u32 v5, v51;
	v6 =	vand.u32 $0xFFFFFC00, v53;
	v8 =	vand.u32 $0xFFFFFC00, v55  }
0x51: {  	v5 =	vor.u32 v1, v5;
	v6 =	vor.u32 v6, v7;
	v7 =	vand.u32 $0x7F, v54  }
0x52: {  	v59 =	vand.u32 $0xFFFFFC00, v57;
	v6 =	vor.u32 v1, v6;
	v7 =	vor.u32 v8, v7  }
0x53: {  	v8 =	vor.u32 v59, v58;
	v7 =	vor.u32 v1, v7  }
0x54: {  	v60 =	vld.idx.msk [tilespmem:v4+s14+$0x0], $0xffff;
	v8 =	vor.u32 v1, v8  }
0x55: {  	v4 =	vld.idx.msk [tilespmem:v4+s16+$0x0], $0xffff  }
0x56: {  	v5 =	vld.idx.msk [tilespmem:v5+s2+$0x0], $0xffff  }
0x57: {  	v6 =	vld.idx.msk [tilespmem:v6+s2+$0x0], $0xffff  }
0x58: {  	v7 =	vld.idx.msk [tilespmem:v7+s2+$0x0], $0xffff  }
0x59: {  	v8 =	vld.idx.msk [tilespmem:v8+s2+$0x0], $0xffff  }
0x5a: {  	s29 =	sadd.s32 $0xFFFFFFD0, s22  }
0x5b: {  	v61 =	vmov s29;
	v62 =	vor.u32 s29, v0;
	v5 =	vsub.f32 v60, v5  }
0x5c: {  	v63 =	vand.u32 $0x7F, v62;
	v10 =	vshll.u32 v61, $0x2;
	v6 =	vsub.f32 v4, v6  }
0x5d: {  	v10 =	vand.u32 $0x1E00, v10;
	v5 =	vmul.f32 s24, v5;
	v7 =	vadd.f32 v60, v7  }
0x5e: {  	v12 =	vor.u32 v63, v10;
	v4 =	vadd.f32 v4, v8;
	v6 =	vmul.f32 s25, v6  }
0x5f: {  	v9 =	vor.u32 $0x80, v12;
	v5 =	vadd.f32 v5, v2;
	v7 =	vmul.f32 s24, v7  }
0x60: {  	v10 =	vor.u32 $0x100, v12;
	v4 =	vmul.f32 s25, v4;
	v6 =	vadd.f32 v6, v3  }
0x61: {  	v13 =	vor.u32 $0x180, v12;
	v5 =	vmax.f32 v5, $0.0e+00;
	v7 =	vadd.f32 v7, v2  }
0x62: {  	v4 =	vadd.f32 v4, v3;
	v5 =	vmin.f32 v5, $1.023000000e+03;
	v6 =	vmax.f32 v6, $0.0e+00  }
0x63: {  	v6 =	vmin.f32 v6, $1.023000000e+03;
	v7 =	vmax.f32 v7, $0.0e+00;
	[tilespmem:v12+s18+$0x0] =	vst.idx.msk $0xffff, v5  }
0x64: {  	v4 =	vmax.f32 v4, $0.0e+00;
	v14 =	vmin.f32 v7, $1.023000000e+03;
	[tilespmem:v9+s18+$0x0] =	vst.idx.msk $0xffff, v6  }
0x65: {  	v4 =	vmin.f32 v4, $1.023000000e+03;
	[tilespmem:v10+s18+$0x0] =	vst.idx.msk $0xffff, v14  }
0x66: {  	[tilespmem:v13+s18+$0x0] =	vst.idx.msk $0xffff, v4  }
0x67: {  	v4 =	vld [tilespmem:s23+$0x0];
	_ =	sdelay $0x4  }
0x68: {  	v15 =	vshll.u32 v4, $0x3;
	v16 =	vand.u32 $0x7F, v4  }
0x69: {  	v17 =	vadd.s32 $0xC4, v4;
	v19 =	vadd.s32 $0x188, v4;
	v21 =	vadd.s32 $0x24C, v4  }
0x6a: {  	v5 =	vand.u32 $0xFFFFFC00, v15;
	v18 =	vshll.u32 v17, $0x3;
	v7 =	vand.u32 $0x7F, v17  }
0x6b: {  	v20 =	vshll.u32 v19, $0x3;
	v22 =	vshll.u32 v21, $0x3;
	v23 =	vand.u32 $0x7F, v21  }
0x6c: {  	v5 =	vor.u32 v5, v16;
	v6 =	vand.u32 $0xFFFFFC00, v18;
	v8 =	vand.u32 $0xFFFFFC00, v20  }
0x6d: {  	v5 =	vor.u32 v1, v5;
	v6 =	vor.u32 v6, v7;
	v7 =	vand.u32 $0x7F, v19  }
0x6e: {  	v24 =	vand.u32 $0xFFFFFC00, v22;
	v6 =	vor.u32 v1, v6;
	v7 =	vor.u32 v8, v7  }
0x6f: {  	v8 =	vor.u32 v24, v23;
	v7 =	vor.u32 v1, v7  }
0x70: {  	v25 =	vld.idx.msk [tilespmem:v4+s14+$0x0], $0xffff;
	v8 =	vor.u32 v1, v8  }
0x71: {  	v4 =	vld.idx.msk [tilespmem:v4+s16+$0x0], $0xffff  }
0x72: {  	v5 =	vld.idx.msk [tilespmem:v5+s2+$0x0], $0xffff  }
0x73: {  	v6 =	vld.idx.msk [tilespmem:v6+s2+$0x0], $0xffff  }
0x74: {  	v7 =	vld.idx.msk [tilespmem:v7+s2+$0x0], $0xffff  }
0x75: {  	v8 =	vld.idx.msk [tilespmem:v8+s2+$0x0], $0xffff  }
0x76: {  	s30 =	sadd.s32 $0xFFFFFFE0, s22  }
0x77: {  	v26 =	vmov s30;
	v27 =	vor.u32 s30, v0;
	v5 =	vsub.f32 v25, v5  }
0x78: {  	v28 =	vand.u32 $0x7F, v27;
	v10 =	vshll.u32 v26, $0x2;
	v6 =	vsub.f32 v4, v6  }
0x79: {  	v10 =	vand.u32 $0x1E00, v10;
	v5 =	vmul.f32 s24, v5;
	v7 =	vadd.f32 v25, v7  }
0x7a: {  	v29 =	vor.u32 v28, v10;
	v4 =	vadd.f32 v4, v8;
	v6 =	vmul.f32 s25, v6  }
0x7b: {  	v9 =	vor.u32 $0x80, v29;
	v5 =	vadd.f32 v5, v2;
	v7 =	vmul.f32 s24, v7  }
0x7c: {  	v10 =	vor.u32 $0x100, v29;
	v4 =	vmul.f32 s25, v4;
	v6 =	vadd.f32 v6, v3  }
0x7d: {  	v30 =	vor.u32 $0x180, v29;
	v5 =	vmax.f32 v5, $0.0e+00;
	v7 =	vadd.f32 v7, v2  }
0x7e: {  	v4 =	vadd.f32 v4, v3;
	v5 =	vmin.f32 v5, $1.023000000e+03;
	v6 =	vmax.f32 v6, $0.0e+00  }
0x7f: {  	v6 =	vmin.f32 v6, $1.023000000e+03;
	v7 =	vmax.f32 v7, $0.0e+00;
	[tilespmem:v29+s18+$0x0] =	vst.idx.msk $0xffff, v5  }
0x80: {  	v4 =	vmax.f32 v4, $0.0e+00;
	v31 =	vmin.f32 v7, $1.023000000e+03;
	[tilespmem:v9+s18+$0x0] =	vst.idx.msk $0xffff, v6  }
0x81: {  	v4 =	vmin.f32 v4, $1.023000000e+03;
	[tilespmem:v10+s18+$0x0] =	vst.idx.msk $0xffff, v31  }
0x82: {  	[tilespmem:v30+s18+$0x0] =	vst.idx.msk $0xffff, v4  }
0x83: {  	v4 =	vld [tilespmem:s23+$0x10];
	_ =	sdelay $0x4  }
0x84: {  	v32 =	vshll.u32 v4, $0x3;
	v33 =	vand.u32 $0x7F, v4  }
0x85: {  	v34 =	vadd.s32 $0xC4, v4;
	v36 =	vadd.s32 $0x188, v4;
	v38 =	vadd.s32 $0x24C, v4  }
0x86: {  	v5 =	vand.u32 $0xFFFFFC00, v32;
	v35 =	vshll.u32 v34, $0x3;
	v7 =	vand.u32 $0x7F, v34  }
0x87: {  	v37 =	vshll.u32 v36, $0x3;
	v39 =	vshll.u32 v38, $0x3;
	v40 =	vand.u32 $0x7F, v38  }
0x88: {  	v5 =	vor.u32 v5, v33;
	v6 =	vand.u32 $0xFFFFFC00, v35;
	v8 =	vand.u32 $0xFFFFFC00, v37  }
0x89: {  	v5 =	vor.u32 v1, v5;
	v6 =	vor.u32 v6, v7;
	v7 =	vand.u32 $0x7F, v36  }
0x8a: {  	v41 =	vand.u32 $0xFFFFFC00, v39;
	v6 =	vor.u32 v1, v6;
	v7 =	vor.u32 v8, v7  }
0x8b: {  	v8 =	vor.u32 v41, v40;
	v7 =	vor.u32 v1, v7  }
0x8c: {  	v42 =	vld.idx.msk [tilespmem:v4+s14+$0x0], $0xffff;
	v8 =	vor.u32 v1, v8  }
0x8d: {  	v4 =	vld.idx.msk [tilespmem:v4+s16+$0x0], $0xffff  }
0x8e: {  	v5 =	vld.idx.msk [tilespmem:v5+s2+$0x0], $0xffff  }
0x8f: {  	v6 =	vld.idx.msk [tilespmem:v6+s2+$0x0], $0xffff  }
0x90: {  	v7 =	vld.idx.msk [tilespmem:v7+s2+$0x0], $0xffff  }
0x91: {  	v8 =	vld.idx.msk [tilespmem:v8+s2+$0x0], $0xffff  }
0x92: {  	s31 =	sadd.s32 $0xFFFFFFF0, s22  }
0x93: {  	v44 =	vor.u32 s31, v0;
	v43 =	vmov s31;
	v5 =	vsub.f32 v42, v5  }
0x94: {  	v45 =	vand.u32 $0x7F, v44;
	v10 =	vshll.u32 v43, $0x2;
	v6 =	vsub.f32 v4, v6  }
0x95: {  	v10 =	vand.u32 $0x1E00, v10;
	v5 =	vmul.f32 s24, v5;
	v7 =	vadd.f32 v42, v7  }
0x96: {  	v46 =	vor.u32 v45, v10;
	v4 =	vadd.f32 v4, v8;
	v6 =	vmul.f32 s25, v6  }
0x97: {  	v9 =	vor.u32 $0x80, v46;
	v5 =	vadd.f32 v5, v2;
	v7 =	vmul.f32 s24, v7  }
0x98: {  	v10 =	vor.u32 $0x100, v46;
	v4 =	vmul.f32 s25, v4;
	v6 =	vadd.f32 v6, v3  }
0x99: {  	v47 =	vor.u32 $0x180, v46;
	v5 =	vmax.f32 v5, $0.0e+00;
	v7 =	vadd.f32 v7, v2  }
0x9a: {  	v4 =	vadd.f32 v4, v3;
	v5 =	vmin.f32 v5, $1.023000000e+03;
	v6 =	vmax.f32 v6, $0.0e+00  }
0x9b: {  	[tilespmem:v46+s18+$0x0] =	vst.idx.msk $0xffff, v5;
	v48 =	vmin.f32 v6, $1.023000000e+03;
	v49 =	vmax.f32 v7, $0.0e+00  }
0x9c: {  	v4 =	vmax.f32 v4, $0.0e+00;
	v6 =	vmin.f32 v49, $1.023000000e+03;
	[tilespmem:v9+s18+$0x0] =	vst.idx.msk $0xffff, v48  }
0x9d: {  	v4 =	vmin.f32 v4, $1.023000000e+03;
	[tilespmem:v10+s18+$0x0] =	vst.idx.msk $0xffff, v6  }
0x9e: {  	[tilespmem:v47+s18+$0x0] =	vst.idx.msk $0xffff, v4  }
0x9f: {  	v4 =	vld [tilespmem:s23+$0x20];
	_ =	sdelay $0x4  }
0xa0: {  	v50 =	vshll.u32 v4, $0x3;
	v51 =	vadd.s32 $0xC4, v4  }
0xa1: {  	v52 =	vand.u32 $0x7F, v4;
	v55 =	vadd.s32 $0x188, v4;
	v57 =	vadd.s32 $0x24C, v4  }
0xa2: {  	v5 =	vand.u32 $0xFFFFFC00, v50;
	v53 =	vshll.u32 v51, $0x3;
	v6 =	vand.u32 $0x7F, v51  }
0xa3: {  	v56 =	vshll.u32 v55, $0x3;
	v7 =	vand.u32 $0x7F, v55;
	v58 =	vshll.u32 v57, $0x3  }
0xa4: {  	v9 =	vand.u32 $0x7F, v57;
	v5 =	vor.u32 v5, v52;
	v54 =	vand.u32 $0xFFFFFC00, v53  }
0xa5: {  	v8 =	vand.u32 $0xFFFFFC00, v56;
	v5 =	vor.u32 v1, v5;
	v6 =	vor.u32 v54, v6  }
0xa6: {  	v7 =	vor.u32 v8, v7;
	v8 =	vand.u32 $0xFFFFFC00, v58;
	v6 =	vor.u32 v1, v6  }
0xa7: {  	v7 =	vor.u32 v1, v7;
	v8 =	vor.u32 v8, v9  }
0xa8: {  	v59 =	vld.idx.msk [tilespmem:v4+s14+$0x0], $0xffff;
	v1 =	vor.u32 v1, v8  }
0xa9: {  	v4 =	vld.idx.msk [tilespmem:v4+s16+$0x0], $0xffff  }
0xaa: {  	v5 =	vld.idx.msk [tilespmem:v5+s2+$0x0], $0xffff  }
0xab: {  	v6 =	vld.idx.msk [tilespmem:v6+s2+$0x0], $0xffff  }
0xac: {  	v7 =	vld.idx.msk [tilespmem:v7+s2+$0x0], $0xffff  }
0xad: {  	v1 =	vld.idx.msk [tilespmem:v1+s2+$0x0], $0xffff;
	_ =	sdelay $0x1  }
0xae: {  	v61 =	vor.u32 s22, v0;
	v60 =	vmov s22;
	v5 =	vsub.f32 v59, v5  }
0xaf: {  	v9 =	vshll.u32 v60, $0x2;
	v8 =	vand.u32 $0x7F, v61;
	v6 =	vsub.f32 v4, v6  }
0xb0: {  	v9 =	vand.u32 $0x1E00, v9;
	v7 =	vadd.f32 v59, v7;
	v5 =	vmul.f32 s24, v5  }
0xb1: {  	v62 =	vor.u32 v8, v9;
	v1 =	vadd.f32 v4, v1;
	v6 =	vmul.f32 s25, v6  }
0xb2: {  	v8 =	vor.u32 $0x80, v62;
	v7 =	vmul.f32 s24, v7;
	v5 =	vadd.f32 v5, v2  }
0xb3: {  	v9 =	vor.u32 $0x100, v62;
	v1 =	vmul.f32 s25, v1;
	v6 =	vadd.f32 v6, v3  }
0xb4: {  	p1 =	sne.s32 s22, $0x270;
	v63 =	vor.u32 $0x180, v62;
	v2 =	vadd.f32 v7, v2;
	v5 =	vmax.f32 v5, $0.0e+00  }
.Ltmp3:
0xb5: {  	v1 =	vadd.f32 v1, v3;
	v5 =	vmin.f32 v5, $1.023000000e+03;
	v6 =	vmax.f32 v6, $0.0e+00;
	(pc) =	sbr.rel @p1 .LBB2_6-.Ltmp3, $4  }
0xb6: {  	v2 =	vmax.f32 v2, $0.0e+00;
	v3 =	vmin.f32 v6, $1.023000000e+03;
	[tilespmem:v62+s18+$0x0] =	vst.idx.msk $0xffff, v5  }
0xb7: {  	v2 =	vmin.f32 v2, $1.023000000e+03;
	v1 =	vmax.f32 v1, $0.0e+00;
	[tilespmem:v8+s18+$0x0] =	vst.idx.msk $0xffff, v3  }
0xb8: {  	s20 =	sadd.s32 $0x1, s20;
	v1 =	vmin.f32 v1, $1.023000000e+03;
	[tilespmem:v9+s18+$0x0] =	vst.idx.msk $0xffff, v2  }
0xb9: {  	s21 =	sadd.s32 $0x80, s21;
	s22 =	sadd.s32 $0x50, s22;
	s23 =	sadd.s32 $0x80, s23;
	[tilespmem:v63+s18+$0x0] =	vst.idx.msk $0xffff, v1  }
.Ltmp4:
0xba: {  	(pc) =	sbr.rel .LBB2_8-.Ltmp4, $4  }
0xbb: {  	[hbm4b:s12+s2] =	stream.linear.scatter [tilespmem:s18], [sflag:$0x1], $0xA00, $0x38;
	[tilespmem:$0xBA00] =	vst v63  }
0xbc: {  	_ =	swait.ge [sflag:s15], $0xA00  }
0xbd: {  	[sflag:s15] =	ssyncset.done $0x0  }
0xbe: {  	[sflag:s15] =	ssyncadd.s32 $0xFFFFF600  }
.LBB2_2:
0xbf: {  	[tilespmem:s20], [sflag:$0x1] =	stream.linear.gather [hbm4b:s5+s20], $0x7000, $0x38;
	[tilespmem:$0xBA00] =	vst v63  }
0xc0: {  	_ =	swait.ge [sflag:s15], $0x7000  }
0xc1: {  	[sflag:s15] =	ssyncset.done $0x0  }
0xc2: {  	[sflag:s15] =	ssyncadd.s32 $0xFFFF9000  }
0xc3: {  	[tilespmem:s17], [sflag:$0x1] =	stream.linear.gather [hbm4b:s6+s20], $0x1000, $0x38;
	[tilespmem:$0xBA00] =	vst v63  }
0xc4: {  	_ =	swait.ge [sflag:s15], $0x1000  }
0xc5: {  	[sflag:s15] =	ssyncset.done $0x0  }
0xc6: {  	s21 =	simm.s32 $0x8200;
	[sflag:s15] =	ssyncadd.s32 $0xFFFFF000  }
0xc7: {  	[tilespmem:s21], [sflag:$0x1] =	stream.linear.gather [hbm4b:s7+s20], $0x1000, $0x38;
	[tilespmem:$0xBA00] =	vst v63  }
0xc8: {  	_ =	swait.ge [sflag:s15], $0x1000  }
0xc9: {  	[sflag:s15] =	ssyncset.done $0x0  }
0xca: {  	s22 =	simm.s32 $0x40;
	s23 =	simm.s32 $0x7020;
	[sflag:s15] =	ssyncadd.s32 $0xFFFFF000  }
.LBB2_3:
0xcb: {  	v4 =	vld [tilespmem:s21+$0x0];
	_ =	sdelay $0x3  }
0xcc: {  	v3 =	vld [tilespmem:s23+$0xFFFFFFE0]  }
0xcd: {  	(v2sf) =	vpush v4, $0x0  }
0xce: {  	v2 =	vmov s20;
	(v2sf) =	vpush v4, $0x1  }
0xcf: {  	v1 =	vshrl.u32 v2, $0x3;
	v2 =	vshll.u32 v2, $0x7;
	(v2sf) =	vpush v4, $0x2  }
0xd0: {  	v1 =	vmul.u32 $0x1C00, v1;
	v2 =	vand.u32 $0x380, v2;
	(v2sf) =	vpush v4, $0x3  }
0xd1: {  	v5 =	vand.u32 $0x7F, v3;
	v6 =	vshll.u32 v3, $0x3;
	v7 =	vadd.s32 $0xC4, v3  }
0xd2: {  	v34 =	vadd.s32 $0x188, v3;
	v9 =	vadd.s32 $0x24C, v3;
	v6 =	vand.u32 $0xFFFFFC00, v6  }
0xd3: {  	v8 =	vshll.u32 v7, $0x3;
	v32 =	vand.u32 $0x7F, v7;
	v35 =	vshll.u32 v34, $0x3  }
0xd4: {  	v10 =	vshll.u32 v9, $0x3;
	v7 =	vand.u32 $0x7F, v34;
	v36 =	vand.u32 $0x7F, v9  }
0xd5: {  	v6 =	vadd.s32 v1, v6;
	v8 =	vand.u32 $0xFFFFFC00, v8;
	v10 =	vand.u32 $0xFFFFFC00, v10  }
0xd6: {  	v5 =	vor.u32 v5, v6;
	v33 =	vadd.s32 v1, v8;
	v8 =	vand.u32 $0xFFFFFC00, v35  }
0xd7: {  	v5 =	vor.u32 v2, v5;
	v6 =	vor.u32 v32, v33;
	v8 =	vadd.s32 v1, v8  }
0xd8: {  	v37 =	vadd.s32 v1, v10;
	v6 =	vor.u32 v2, v6;
	v7 =	vor.u32 v7, v8  }
0xd9: {  	v8 =	vor.u32 v36, v37;
	v7 =	vor.u32 v2, v7  }
0xda: {  	v38 =	vld.idx.msk [tilespmem:v3+s14+$0x0], $0xffff;
	v8 =	vor.u32 v2, v8  }
0xdb: {  	v39 =	vld.idx.msk [tilespmem:v3+s16+$0x0], $0xffff  }
0xdc: {  	v5 =	vld.idx.msk [tilespmem:v5+s2+$0x0], $0xffff;
	s24 =	spop (v2sf)  }
0xdd: {  	v6 =	vld.idx.msk [tilespmem:v6+s2+$0x0], $0xffff;
	s25 =	spop (v2sf)  }
0xde: {  	s28 =	sadd.s32 $0xFFFFFFC0, s22;
	v7 =	vld.idx.msk [tilespmem:v7+s2+$0x0], $0xffff;
	s26 =	spop (v2sf)  }
0xdf: {  	v11 =	vmov s28;
	v8 =	vld.idx.msk [tilespmem:v8+s2+$0x0], $0xffff;
	s24 =	ssub.f32 s26, s24;
	s31 =	spop (v2sf)  }
0xe0: {  	v12 =	vor.u32 s28, v0;
	v11 =	vshll.u32 v11, $0x2;
	s25 =	ssub.f32 s31, s25  }
0xe1: {  	v42 =	vand.u32 $0x7F, v12;
	v11 =	vand.u32 $0x3E00, v11;
	v3 =	vsub.f32 v38, v5;
	s24 =	smul.f32 $7.142857460e-02, s24  }
0xe2: {  	v9 =	vor.u32 v42, v11;
	v40 =	vsub.f32 v39, v6;
	s25 =	smul.f32 $7.142857460e-02, s25  }
0xe3: {  	v7 =	vadd.f32 v38, v7;
	v41 =	vmul.f32 s24, v3;
	v3 =	vbroadcast v4, $0x0  }
0xe4: {  	v8 =	vadd.f32 v39, v8;
	v4 =	vbroadcast v4, $0x1;
	v5 =	vmul.f32 s25, v40  }
0xe5: {  	v43 =	vor.u32 $0x80, v9;
	v7 =	vmul.f32 s24, v7;
	v6 =	vadd.f32 v41, v3  }
0xe6: {  	v11 =	vor.u32 $0x100, v9;
	v8 =	vmul.f32 s25, v8;
	v5 =	vadd.f32 v5, v4  }
0xe7: {  	v44 =	vor.u32 $0x180, v9;
	v7 =	vadd.f32 v7, v3;
	v6 =	vmax.f32 v6, $0.0e+00  }
0xe8: {  	v8 =	vadd.f32 v8, v4;
	v6 =	vmin.f32 v6, $1.023000000e+03;
	v5 =	vmax.f32 v5, $0.0e+00  }
0xe9: {  	v7 =	vmax.f32 v7, $0.0e+00;
	v5 =	vmin.f32 v5, $1.023000000e+03;
	[tilespmem:v9+s18+$0x0] =	vst.idx.msk $0xffff, v6  }
0xea: {  	v45 =	vmin.f32 v7, $1.023000000e+03;
	v46 =	vmax.f32 v8, $0.0e+00;
	[tilespmem:v43+s18+$0x0] =	vst.idx.msk $0xffff, v5  }
0xeb: {  	v47 =	vmin.f32 v46, $1.023000000e+03;
	[tilespmem:v11+s18+$0x0] =	vst.idx.msk $0xffff, v45  }
0xec: {  	[tilespmem:v44+s18+$0x0] =	vst.idx.msk $0xffff, v47  }
0xed: {  	v5 =	vld [tilespmem:s23+$0xFFFFFFF0];
	_ =	sdelay $0x4  }
0xee: {  	v48 =	vshll.u32 v5, $0x3;
	v49 =	vand.u32 $0x7F, v5;
	v50 =	vadd.s32 $0xC4, v5  }
0xef: {  	v52 =	vadd.s32 $0x188, v5;
	v54 =	vadd.s32 $0x24C, v5;
	v6 =	vand.u32 $0xFFFFFC00, v48  }
0xf0: {  	v51 =	vshll.u32 v50, $0x3;
	v8 =	vand.u32 $0x7F, v50;
	v53 =	vshll.u32 v52, $0x3  }
0xf1: {  	v55 =	vshll.u32 v54, $0x3;
	v9 =	vand.u32 $0x7F, v52;
	v7 =	vand.u32 $0xFFFFFC00, v51  }
0xf2: {  	v56 =	vand.u32 $0x7F, v54;
	v6 =	vadd.s32 v1, v6;
	v7 =	vadd.s32 v1, v7  }
0xf3: {  	v6 =	vor.u32 v49, v6;
	v7 =	vor.u32 v8, v7;
	v8 =	vand.u32 $0xFFFFFC00, v53  }
0xf4: {  	v11 =	vand.u32 $0xFFFFFC00, v55;
	v6 =	vor.u32 v2, v6;
	v8 =	vadd.s32 v1, v8  }
0xf5: {  	v57 =	vadd.s32 v1, v11;
	v7 =	vor.u32 v2, v7;
	v8 =	vor.u32 v9, v8  }
0xf6: {  	v9 =	vor.u32 v56, v57;
	v8 =	vor.u32 v2, v8  }
0xf7: {  	v58 =	vld.idx.msk [tilespmem:v5+s14+$0x0], $0xffff;
	v9 =	vor.u32 v2, v9  }
0xf8: {  	v5 =	vld.idx.msk [tilespmem:v5+s16+$0x0], $0xffff  }
0xf9: {  	v6 =	vld.idx.msk [tilespmem:v6+s2+$0x0], $0xffff  }
0xfa: {  	v7 =	vld.idx.msk [tilespmem:v7+s2+$0x0], $0xffff  }
0xfb: {  	v8 =	vld.idx.msk [tilespmem:v8+s2+$0x0], $0xffff  }
0xfc: {  	v9 =	vld.idx.msk [tilespmem:v9+s2+$0x0], $0xffff  }
0xfd: {  	s29 =	sadd.s32 $0xFFFFFFD0, s22  }
0xfe: {  	v59 =	vmov s29;
	v60 =	vor.u32 s29, v0;
	v6 =	vsub.f32 v58, v6  }
0xff: {  	v61 =	vand.u32 $0x7F, v60;
	v11 =	vshll.u32 v59, $0x2;
	v7 =	vsub.f32 v5, v7  }
0x100: {  	v11 =	vand.u32 $0x7E00, v11;
	v6 =	vmul.f32 s24, v6;
	v8 =	vadd.f32 v58, v8  }
0x101: {  	v62 =	vor.u32 v61, v11;
	v7 =	vmul.f32 s25, v7;
	v5 =	vadd.f32 v5, v9  }
0x102: {  	v10 =	vor.u32 $0x80, v62;
	v6 =	vadd.f32 v6, v3;
	v8 =	vmul.f32 s24, v8  }
0x103: {  	v11 =	vor.u32 $0x100, v62;
	v7 =	vadd.f32 v7, v4;
	v5 =	vmul.f32 s25, v5  }
0x104: {  	v63 =	vor.u32 $0x180, v62;
	v6 =	vmax.f32 v6, $0.0e+00;
	v8 =	vadd.f32 v8, v3  }
0x105: {  	v6 =	vmin.f32 v6, $1.023000000e+03;
	v7 =	vmax.f32 v7, $0.0e+00;
	v5 =	vadd.f32 v5, v4  }
0x106: {  	v7 =	vmin.f32 v7, $1.023000000e+03;
	[tilespmem:v62+s18+$0x0] =	vst.idx.msk $0xffff, v6;
	v8 =	vmax.f32 v8, $0.0e+00  }
0x107: {  	v5 =	vmax.f32 v5, $0.0e+00;
	[tilespmem:v10+s18+$0x0] =	vst.idx.msk $0xffff, v7;
	v14 =	vmin.f32 v8, $1.023000000e+03  }
0x108: {  	v5 =	vmin.f32 v5, $1.023000000e+03;
	[tilespmem:v11+s18+$0x0] =	vst.idx.msk $0xffff, v14  }
0x109: {  	[tilespmem:v63+s18+$0x0] =	vst.idx.msk $0xffff, v5  }
0x10a: {  	v5 =	vld [tilespmem:s23+$0x0];
	_ =	sdelay $0x4  }
0x10b: {  	v15 =	vshll.u32 v5, $0x3;
	v16 =	vand.u32 $0x7F, v5;
	v17 =	vadd.s32 $0xC4, v5  }
0x10c: {  	v19 =	vadd.s32 $0x188, v5;
	v21 =	vadd.s32 $0x24C, v5;
	v6 =	vand.u32 $0xFFFFFC00, v15  }
0x10d: {  	v18 =	vshll.u32 v17, $0x3;
	v8 =	vand.u32 $0x7F, v17;
	v20 =	vshll.u32 v19, $0x3  }
0x10e: {  	v22 =	vshll.u32 v21, $0x3;
	v9 =	vand.u32 $0x7F, v19;
	v7 =	vand.u32 $0xFFFFFC00, v18  }
0x10f: {  	v23 =	vand.u32 $0x7F, v21;
	v6 =	vadd.s32 v1, v6;
	v7 =	vadd.s32 v1, v7  }
0x110: {  	v6 =	vor.u32 v16, v6;
	v7 =	vor.u32 v8, v7;
	v8 =	vand.u32 $0xFFFFFC00, v20  }
0x111: {  	v11 =	vand.u32 $0xFFFFFC00, v22;
	v6 =	vor.u32 v2, v6;
	v8 =	vadd.s32 v1, v8  }
0x112: {  	v24 =	vadd.s32 v1, v11;
	v7 =	vor.u32 v2, v7;
	v8 =	vor.u32 v9, v8  }
0x113: {  	v9 =	vor.u32 v23, v24;
	v8 =	vor.u32 v2, v8  }
0x114: {  	v25 =	vld.idx.msk [tilespmem:v5+s14+$0x0], $0xffff;
	v9 =	vor.u32 v2, v9  }
0x115: {  	v5 =	vld.idx.msk [tilespmem:v5+s16+$0x0], $0xffff  }
0x116: {  	v6 =	vld.idx.msk [tilespmem:v6+s2+$0x0], $0xffff  }
0x117: {  	v7 =	vld.idx.msk [tilespmem:v7+s2+$0x0], $0xffff  }
0x118: {  	v8 =	vld.idx.msk [tilespmem:v8+s2+$0x0], $0xffff  }
0x119: {  	v9 =	vld.idx.msk [tilespmem:v9+s2+$0x0], $0xffff  }
0x11a: {  	s30 =	sadd.s32 $0xFFFFFFE0, s22  }
0x11b: {  	v26 =	vmov s30;
	v27 =	vor.u32 s30, v0;
	v6 =	vsub.f32 v25, v6  }
0x11c: {  	v28 =	vand.u32 $0x7F, v27;
	v11 =	vshll.u32 v26, $0x2;
	v7 =	vsub.f32 v5, v7  }
0x11d: {  	v11 =	vand.u32 $0x7E00, v11;
	v6 =	vmul.f32 s24, v6;
	v8 =	vadd.f32 v25, v8  }
0x11e: {  	v29 =	vor.u32 v28, v11;
	v7 =	vmul.f32 s25, v7;
	v5 =	vadd.f32 v5, v9  }
0x11f: {  	v10 =	vor.u32 $0x80, v29;
	v6 =	vadd.f32 v6, v3;
	v8 =	vmul.f32 s24, v8  }
0x120: {  	v11 =	vor.u32 $0x100, v29;
	v7 =	vadd.f32 v7, v4;
	v5 =	vmul.f32 s25, v5  }
0x121: {  	v30 =	vor.u32 $0x180, v29;
	v6 =	vmax.f32 v6, $0.0e+00;
	v8 =	vadd.f32 v8, v3  }
0x122: {  	v6 =	vmin.f32 v6, $1.023000000e+03;
	v7 =	vmax.f32 v7, $0.0e+00;
	v5 =	vadd.f32 v5, v4  }
0x123: {  	v7 =	vmin.f32 v7, $1.023000000e+03;
	[tilespmem:v29+s18+$0x0] =	vst.idx.msk $0xffff, v6;
	v8 =	vmax.f32 v8, $0.0e+00  }
0x124: {  	v5 =	vmax.f32 v5, $0.0e+00;
	[tilespmem:v10+s18+$0x0] =	vst.idx.msk $0xffff, v7;
	v31 =	vmin.f32 v8, $1.023000000e+03  }
0x125: {  	v5 =	vmin.f32 v5, $1.023000000e+03;
	[tilespmem:v11+s18+$0x0] =	vst.idx.msk $0xffff, v31  }
0x126: {  	[tilespmem:v30+s18+$0x0] =	vst.idx.msk $0xffff, v5  }
0x127: {  	v5 =	vld [tilespmem:s23+$0x10];
	_ =	sdelay $0x4  }
0x128: {  	v32 =	vshll.u32 v5, $0x3;
	v33 =	vand.u32 $0x7F, v5;
	v34 =	vadd.s32 $0xC4, v5  }
0x129: {  	v36 =	vadd.s32 $0x188, v5;
	v38 =	vadd.s32 $0x24C, v5;
	v6 =	vand.u32 $0xFFFFFC00, v32  }
0x12a: {  	v35 =	vshll.u32 v34, $0x3;
	v8 =	vand.u32 $0x7F, v34;
	v37 =	vshll.u32 v36, $0x3  }
0x12b: {  	v39 =	vshll.u32 v38, $0x3;
	v9 =	vand.u32 $0x7F, v36;
	v7 =	vand.u32 $0xFFFFFC00, v35  }
0x12c: {  	v40 =	vand.u32 $0x7F, v38;
	v6 =	vadd.s32 v1, v6;
	v7 =	vadd.s32 v1, v7  }
0x12d: {  	v6 =	vor.u32 v33, v6;
	v7 =	vor.u32 v8, v7;
	v8 =	vand.u32 $0xFFFFFC00, v37  }
0x12e: {  	v11 =	vand.u32 $0xFFFFFC00, v39;
	v6 =	vor.u32 v2, v6;
	v8 =	vadd.s32 v1, v8  }
0x12f: {  	v41 =	vadd.s32 v1, v11;
	v7 =	vor.u32 v2, v7;
	v8 =	vor.u32 v9, v8  }
0x130: {  	v9 =	vor.u32 v40, v41;
	v8 =	vor.u32 v2, v8  }
0x131: {  	v42 =	vld.idx.msk [tilespmem:v5+s14+$0x0], $0xffff;
	v9 =	vor.u32 v2, v9  }
0x132: {  	v5 =	vld.idx.msk [tilespmem:v5+s16+$0x0], $0xffff  }
0x133: {  	v6 =	vld.idx.msk [tilespmem:v6+s2+$0x0], $0xffff  }
0x134: {  	v7 =	vld.idx.msk [tilespmem:v7+s2+$0x0], $0xffff  }
0x135: {  	v8 =	vld.idx.msk [tilespmem:v8+s2+$0x0], $0xffff  }
0x136: {  	v9 =	vld.idx.msk [tilespmem:v9+s2+$0x0], $0xffff  }
0x137: {  	s31 =	sadd.s32 $0xFFFFFFF0, s22  }
0x138: {  	v43 =	vmov s31;
	v44 =	vor.u32 s31, v0;
	v6 =	vsub.f32 v42, v6  }
0x139: {  	v45 =	vand.u32 $0x7F, v44;
	v11 =	vshll.u32 v43, $0x2;
	v7 =	vsub.f32 v5, v7  }
0x13a: {  	v11 =	vand.u32 $0x7E00, v11;
	v6 =	vmul.f32 s24, v6;
	v8 =	vadd.f32 v42, v8  }
0x13b: {  	v46 =	vor.u32 v45, v11;
	v7 =	vmul.f32 s25, v7;
	v5 =	vadd.f32 v5, v9  }
0x13c: {  	v10 =	vor.u32 $0x80, v46;
	v6 =	vadd.f32 v6, v3;
	v8 =	vmul.f32 s24, v8  }
0x13d: {  	v11 =	vor.u32 $0x100, v46;
	v7 =	vadd.f32 v7, v4;
	v5 =	vmul.f32 s25, v5  }
0x13e: {  	v47 =	vor.u32 $0x180, v46;
	v6 =	vmax.f32 v6, $0.0e+00;
	v8 =	vadd.f32 v8, v3  }
0x13f: {  	v6 =	vmin.f32 v6, $1.023000000e+03;
	v7 =	vmax.f32 v7, $0.0e+00;
	v5 =	vadd.f32 v5, v4  }
0x140: {  	[tilespmem:v46+s18+$0x0] =	vst.idx.msk $0xffff, v6;
	v48 =	vmin.f32 v7, $1.023000000e+03;
	v49 =	vmax.f32 v8, $0.0e+00  }
0x141: {  	v5 =	vmax.f32 v5, $0.0e+00;
	[tilespmem:v10+s18+$0x0] =	vst.idx.msk $0xffff, v48;
	v7 =	vmin.f32 v49, $1.023000000e+03  }
0x142: {  	v5 =	vmin.f32 v5, $1.023000000e+03;
	[tilespmem:v11+s18+$0x0] =	vst.idx.msk $0xffff, v7  }
0x143: {  	[tilespmem:v47+s18+$0x0] =	vst.idx.msk $0xffff, v5  }
0x144: {  	v5 =	vld [tilespmem:s23+$0x20];
	_ =	sdelay $0x4  }
0x145: {  	v50 =	vshll.u32 v5, $0x3;
	v51 =	vand.u32 $0x7F, v5;
	v52 =	vadd.s32 $0xC4, v5  }
0x146: {  	v54 =	vadd.s32 $0x188, v5;
	v56 =	vadd.s32 $0x24C, v5;
	v6 =	vand.u32 $0xFFFFFC00, v50  }
0x147: {  	v53 =	vshll.u32 v52, $0x3;
	v8 =	vand.u32 $0x7F, v52;
	v55 =	vshll.u32 v54, $0x3  }
0x148: {  	v57 =	vshll.u32 v56, $0x3;
	v9 =	vand.u32 $0x7F, v54;
	v7 =	vand.u32 $0xFFFFFC00, v53  }
0x149: {  	v58 =	vand.u32 $0x7F, v56;
	v6 =	vadd.s32 v1, v6;
	v7 =	vadd.s32 v1, v7  }
0x14a: {  	v6 =	vor.u32 v51, v6;
	v7 =	vor.u32 v8, v7;
	v8 =	vand.u32 $0xFFFFFC00, v55  }
0x14b: {  	v11 =	vand.u32 $0xFFFFFC00, v57;
	v6 =	vor.u32 v2, v6;
	v8 =	vadd.s32 v1, v8  }
0x14c: {  	v7 =	vor.u32 v2, v7;
	v1 =	vadd.s32 v1, v11;
	v8 =	vor.u32 v9, v8  }
0x14d: {  	v1 =	vor.u32 v58, v1;
	v8 =	vor.u32 v2, v8  }
0x14e: {  	v1 =	vor.u32 v2, v1;
	v2 =	vld.idx.msk [tilespmem:v5+s14+$0x0], $0xffff  }
0x14f: {  	v5 =	vld.idx.msk [tilespmem:v5+s16+$0x0], $0xffff  }
0x150: {  	v6 =	vld.idx.msk [tilespmem:v6+s2+$0x0], $0xffff  }
0x151: {  	v7 =	vld.idx.msk [tilespmem:v7+s2+$0x0], $0xffff  }
0x152: {  	v8 =	vld.idx.msk [tilespmem:v8+s2+$0x0], $0xffff  }
0x153: {  	v1 =	vld.idx.msk [tilespmem:v1+s2+$0x0], $0xffff;
	_ =	sdelay $0x1  }
0x154: {  	v60 =	vor.u32 s22, v0;
	v59 =	vmov s22;
	v6 =	vsub.f32 v2, v6  }
0x155: {  	v61 =	vand.u32 $0x7F, v60;
	v9 =	vshll.u32 v59, $0x2;
	v7 =	vsub.f32 v5, v7  }
0x156: {  	v9 =	vand.u32 $0x7E00, v9;
	v6 =	vmul.f32 s24, v6;
	v2 =	vadd.f32 v2, v8  }
0x157: {  	v62 =	vor.u32 v61, v9;
	v7 =	vmul.f32 s25, v7;
	v1 =	vadd.f32 v5, v1  }
0x158: {  	v8 =	vor.u32 $0x80, v62;
	v6 =	vadd.f32 v6, v3;
	v2 =	vmul.f32 s24, v2  }
0x159: {  	v9 =	vor.u32 $0x100, v62;
	v7 =	vadd.f32 v7, v4;
	v1 =	vmul.f32 s25, v1  }
0x15a: {  	p1 =	sne.s32 s22, $0x9F0;
	v6 =	vmax.f32 v6, $0.0e+00;
	v2 =	vadd.f32 v2, v3;
	v3 =	vor.u32 $0x180, v62  }
.Ltmp5:
0x15b: {  	v6 =	vmin.f32 v6, $1.023000000e+03;
	v7 =	vmax.f32 v7, $0.0e+00;
	v1 =	vadd.f32 v1, v4;
	(pc) =	sbr.rel @p1 .LBB2_3-.Ltmp5, $4  }
0x15c: {  	v63 =	vmin.f32 v7, $1.023000000e+03;
	[tilespmem:v62+s18+$0x0] =	vst.idx.msk $0xffff, v6;
	v2 =	vmax.f32 v2, $0.0e+00  }
0x15d: {  	v1 =	vmax.f32 v1, $0.0e+00;
	[tilespmem:v8+s18+$0x0] =	vst.idx.msk $0xffff, v63;
	v2 =	vmin.f32 v2, $1.023000000e+03  }
0x15e: {  	s20 =	sadd.s32 $0x1, s20;
	v1 =	vmin.f32 v1, $1.023000000e+03;
	[tilespmem:v9+s18+$0x0] =	vst.idx.msk $0xffff, v2  }
0x15f: {  	s21 =	sadd.s32 $0x80, s21;
	s22 =	sadd.s32 $0x50, s22;
	s23 =	sadd.s32 $0x80, s23;
	[tilespmem:v3+s18+$0x0] =	vst.idx.msk $0xffff, v1  }
.Ltmp6:
0x160: {  	_ = 	snop;
	(pc) =	sbr.rel .LBB2_4-.Ltmp6, $1  }
0x161: {  	_ =	sdelay $0x3  }
.LBB2_9:
0x162: {  	_ =	sfence.sel $0x180000  }
0x163: {  	[bflag:$0x0] =	sbarrier.arrive $0xFFFF  }
0x164: {  	p0 =	sne.s32 s0, $0x0;
	_ =	strace $0x90000047  }
0x165: {  	s0 =	sadd.s32 @!p0 $0x100000, s1;
	[bflag:$0x2] =	sbarrier.arrive $0xFFFF  }
0x166: {  	[sflag:s0] =	ssyncadd.tile.s32 @!p0 $0x1;
	_ =	shalt  }
.Lfunc_end2:
_tile_overlayer_lowered:
.L_overlay_start_2:
0x167: {  	(tag) =	ssettag $0x2  }
0x168: {  	s0 =	rddreg [dreg:$0x0];
	s2 =	stileid.u32  }
0x169: {  	s1 =	rddreg [dreg:$0x1];
	p0 =	sne.s32 s2, $0x0  }
0x16a: {  	s3 =	rddreg [dreg:$0x2];
	[bflag:$0x3] =	sbarrier.arrive $0xFFFF;
	s2 =	simm.s32 @!p0 $0x1C01  }
0x16b: {  	[timem:s3], [sflag:s2] =	dma.local @!p0 [hbm:s0], s1  }
0x16c: {  	s0 =	simm.s32 @!p0 $0x1  }
0x16d: {  	_ =	swait.ge @!p0 [sflag:s0], s1  }
0x16e: {  	s1 =	ssub.s32 @!p0 $0x0, s1;
	[sflag:s0] =	ssyncset.done @!p0 $0x0  }
0x16f: {  	[sflag:s0] =	ssyncadd.s32 @!p0 s1  }
0x170: {  	[bflag:$0x3] =	sbarrier.arrive $0xFFFF  }
0x171: {  	_ =	shalt  }

</sc_bundles>
